<compile_context>
chip_gen: v7x
topology: tpu7x:2x2x1
jax: 0.10.2.dev20260603
libtpu: 0.0.44.dev20260713+nightly
codegen_flags: <defaults>
</compile_context>

<pallas_src>
import functools

import jax
import jax.numpy as jnp
from jax import lax
from jax.experimental import pallas as pl
from jax.experimental.pallas import tpu as pltpu
from jax.experimental.pallas import tpu_sc as plsc

L = 16
DECAY = 0.9
TCHUNK = 256


def _sc_gather(emb, ids):
    T = ids.shape[0]
    V, E = emb.shape
    info = plsc.get_sparse_core_info()
    NW = info.num_cores * info.num_subcores
    b_per_w = T // NW
    mesh = plsc.VectorSubcoreMesh(core_axis_name="c", subcore_axis_name="s")

    @functools.partial(
        pl.kernel,
        mesh=mesh,
        out_type=jax.ShapeDtypeStruct((T, E), jnp.float32),
        scratch_types=[
            pltpu.VMEM((b_per_w,), jnp.int32),
            pltpu.VMEM((b_per_w, E), jnp.float32),
            pltpu.SemaphoreType.DMA,
        ],
    )
    def gather_kernel(table_hbm, idx_hbm, out_hbm, idx_v, rows_v, sem):
        wid = lax.axis_index("s") * info.num_cores + lax.axis_index("c")
        base = wid * b_per_w
        pltpu.sync_copy(idx_hbm.at[pl.ds(base, b_per_w)], idx_v)
        pltpu.async_copy(table_hbm.at[idx_v], rows_v, sem).wait()
        pltpu.sync_copy(rows_v, out_hbm.at[pl.ds(base, b_per_w)])

    return gather_kernel(emb, ids)


def _gains_body(ids_ref, out_ref):
    ids = ids_ref[...]
    T = ids.shape[1]
    amp = (ids % 97).astype(jnp.float32) / 97.0
    pitch = (ids % 31).astype(jnp.float32) / 31.0
    boundary = (ids % 50 == 0).astype(jnp.float32)
    g = 1.0 + 0.3 * amp + 0.2 * pitch + 0.5 * boundary
    iota = lax.broadcasted_iota(jnp.int32, g.shape, 1)
    m1 = jnp.max(g)
    i1 = jnp.min(jnp.where(g == m1, iota, T))
    g_wo = jnp.where(iota == i1, jnp.float32(-jnp.inf), g)
    m2 = jnp.max(g_wo)
    i2 = jnp.min(jnp.where(g_wo == m2, iota, T))
    g = g + jnp.where((iota == i1) | (iota == i2), 0.5, 0.0)
    out_ref[...] = g.reshape(T, 1)


def _gains_call(T, **kw):
    return pl.pallas_call(
        _gains_body,
        out_shape=jax.ShapeDtypeStruct((T, 1), jnp.float32),
        **kw,
    )


def _encdec_body(x_ref, we_ref, be_ref, wd_ref, bd_ref, g_ref, wo_ref,
                 out_ref, wob_ref,
                 i16_ref, c1_ref, i2_ref, c2_ref, u1_ref, u2_ref):
    i = pl.program_id(0)
    nc = pl.num_programs(0) - 1

    @pl.when(i == 0)
    def _init():
        u1_ref[...] = jnp.zeros_like(u1_ref)
        u2_ref[...] = jnp.zeros_like(u2_ref)

    @pl.when(i < nc)
    def _cast_w():
        wob_ref[...] = wo_ref[...].astype(jnp.bfloat16)

    @pl.when(i > 0)
    def _dec_matmul():
        g2 = g_ref[pl.ds((i - 1) * TCHUNK, TCHUNK), :]
        mod2 = 1.0 + 0.2 * (g2 - 1.0)
        d16 = jnp.dot(c1_ref[...], wd_ref[...],
                      preferred_element_type=jnp.float32)
        i2_ref[...] = ((d16 * (1.0 / L) + bd_ref[...]) * mod2) * float(L)

    def dec_step(t, u2):
        w2 = DECAY * u2 + i2_ref[pl.ds(t, 1), :]
        c2 = jnp.minimum(jnp.maximum(jnp.round(w2), 0.0), float(L))
        c2_ref[pl.ds(t, 1), :] = c2
        return w2 - c2

    @pl.when(jnp.logical_and(i > 0, i == nc))
    def _dec_only():
        u2_ref[...] = lax.fori_loop(0, TCHUNK, dec_step, u2_ref[...],
                                    unroll=8)

    @pl.when(i < nc)
    def _enc():
        g1 = g_ref[pl.ds(i * TCHUNK, TCHUNK), :]
        mod1 = 1.0 + 0.3 * (g1 - 1.0)
        I1 = jnp.dot(x_ref[...], we_ref[...],
                     preferred_element_type=jnp.float32) + be_ref[...]
        i16_ref[...] = (I1 * mod1) * float(L)

        def enc_step(t, u1):
            w1 = DECAY * u1 + i16_ref[pl.ds(t, 1), :]
            c1 = jnp.minimum(jnp.maximum(jnp.round(w1), 0.0), float(L))
            c1_ref[pl.ds(t, 1), :] = c1
            return w1 - c1

        def both_step(t, us):
            u1, u2 = us
            return enc_step(t, u1), dec_step(t, u2)

        @pl.when(i == 0)
        def _enc_only():
            u1_ref[...] = lax.fori_loop(0, TCHUNK, enc_step, u1_ref[...],
                                        unroll=8)

        @pl.when(i > 0)
        def _both():
            u1, u2 = lax.fori_loop(0, TCHUNK, both_step,
                                   (u1_ref[...], u2_ref[...]), unroll=8)
            u1_ref[...] = u1
            u2_ref[...] = u2

    @pl.when(i > 0)
    def _emit():
        out_ref[...] = (c2_ref[...] * (1.0 / L)).astype(jnp.bfloat16)


def _encdec_call(T, E, H, V, **kw):
    NC = T // TCHUNK
    NVC = V // NC

    def clamp_lo(i):
        return jnp.minimum(i, NC - 1)

    def shift(i):
        return jnp.maximum(i - 1, 0)

    return pl.pallas_call(
        _encdec_body,
        grid=(NC + 1,),
        in_specs=[
            pl.BlockSpec((TCHUNK, E), lambda i: (clamp_lo(i), 0)),
            pl.BlockSpec((E, H), lambda i: (0, 0)),
            pl.BlockSpec((1, H), lambda i: (0, 0)),
            pl.BlockSpec((H, E), lambda i: (0, 0)),
            pl.BlockSpec((1, E), lambda i: (0, 0)),
            pl.BlockSpec((T, 1), lambda i: (0, 0)),
            pl.BlockSpec((E, NVC), lambda i: (0, clamp_lo(i))),
        ],
        out_specs=[
            pl.BlockSpec((TCHUNK, E), lambda i: (shift(i), 0)),
            pl.BlockSpec((E, NVC), lambda i: (0, clamp_lo(i))),
        ],
        out_shape=[
            jax.ShapeDtypeStruct((T, E), jnp.bfloat16),
            jax.ShapeDtypeStruct((E, V), jnp.bfloat16),
        ],
        scratch_shapes=[
            pltpu.VMEM((TCHUNK, H), jnp.float32),
            pltpu.VMEM((TCHUNK, H), jnp.float32),
            pltpu.VMEM((TCHUNK, E), jnp.float32),
            pltpu.VMEM((TCHUNK, E), jnp.float32),
            pltpu.VMEM((1, H), jnp.float32),
            pltpu.VMEM((1, E), jnp.float32),
        ],
        **kw,
    )


def _logits_body(a_ref, w_ref, b_ref, out_ref):
    out_ref[...] = jnp.dot(a_ref[...], w_ref[...],
                           preferred_element_type=jnp.float32) + b_ref[...]


def _logits_call(T, E, V, NV, **kw):
    return pl.pallas_call(
        _logits_body,
        grid=(V // NV,),
        in_specs=[
            pl.BlockSpec((T, E), lambda n: (0, 0)),
            pl.BlockSpec((E, NV), lambda n: (0, n)),
            pl.BlockSpec((1, NV), lambda n: (0, n)),
        ],
        out_specs=pl.BlockSpec((T, NV), lambda n: (0, n)),
        out_shape=jax.ShapeDtypeStruct((T, V), jnp.float32),
        **kw,
    )


def kernel(input_ids, emb, W_enc, b_enc, W_dec, b_dec, W_out, b_out):
    B, T = input_ids.shape
    V, E = emb.shape
    H = W_enc.shape[1]
    assert B == 1

    ids = input_ids.reshape(T).astype(jnp.int32)
    x = _sc_gather(emb, ids)
    gains = _gains_call(T)(input_ids.reshape(1, T).astype(jnp.int32))
    decoded, w_out_bf = _encdec_call(T, E, H, V)(
        x, W_enc, b_enc.reshape(1, H), W_dec, b_dec.reshape(1, E),
        gains, W_out)
    logits = _logits_call(T, E, V, 1024)(
        decoded, w_out_bf, b_out.reshape(1, V))
    return logits.reshape(B, T, V)

# --- scband reference (transcript-rebuilt; emitter-appended) ---
"""Pipeline reference for scband-full-language-zone-29480655520329 (READ-ONLY COPY).

The authoritative reference and input builder live on the scoring server;
editing this copy changes nothing except your own understanding.
"""

import jax, jax.numpy as jnp
import numpy as np

VOCAB = 8192
EMBED = 768
HIDDEN = 1024
L = 16
TOPK = 2


def _prosody_gains(ids, k):
    # ProsodyAttentionBridge: amplitude/pitch/boundary spikes derived from token ids
    amp = (ids % 97).astype(jnp.float32) / 97.0
    pitch = (ids % 31).astype(jnp.float32) / 31.0
    boundary = (ids % 50 == 0).astype(jnp.float32)
    gains = 1.0 + 0.3 * amp + 0.2 * pitch + 0.5 * boundary
    # k-winners boost (k_winners = top_k)
    topv, topi = jax.lax.top_k(gains, k)
    b_idx = jnp.arange(gains.shape[0])[:, None]
    gains = gains.at[b_idx, topi].add(0.5)
    return gains


def _gif(x, W, b, gains, strength):
    # ProsodyModulatedGIF: leaky integrate-and-fire with L graded spike levels,
    # input current modulated by prosody attention gains (straight-through spikes)
    I = jnp.einsum('btd,dh->bth', x, W) + b
    mod = 1.0 + strength * (gains - 1.0)
    I = I * mod[..., None]
    decay = 0.9

    def step(v, i_t):
        v = decay * v + i_t
        q = jnp.clip(jnp.round(v * L) / L, 0.0, 1.0)
        s = v + jax.lax.stop_gradient(q - v)  # straight-through estimator
        v = v - jax.lax.stop_gradient(q)      # soft reset by emitted spike mass
        return v, s

    I_t = jnp.swapaxes(I, 0, 1)  # (T, B, H)
    v0 = jnp.zeros((I.shape[0], W.shape[1]), dtype=I.dtype)
    _, S = jax.lax.scan(step, v0, I_t)
    return jnp.swapaxes(S, 0, 1)


def setup_inputs(seed: int = 0) -> dict:
    key = jax.random.key(seed)
    ks = jax.random.split(key, 8)
    input_ids = jax.random.randint(ks[0], (1, 2048), 0, VOCAB)
    emb = jax.random.normal(ks[1], (VOCAB, EMBED), jnp.float32) * 0.02
    W_enc = jax.random.normal(ks[2], (EMBED, HIDDEN), jnp.float32) / jnp.sqrt(EMBED)
    b_enc = jnp.zeros((HIDDEN,), jnp.float32)
    W_dec = jax.random.normal(ks[3], (HIDDEN, EMBED), jnp.float32) / jnp.sqrt(HIDDEN)
    b_dec = jnp.zeros((EMBED,), jnp.float32)
    W_out = jax.random.normal(ks[4], (EMBED, VOCAB), jnp.float32) / jnp.sqrt(EMBED)
    b_out = jnp.zeros((VOCAB,), jnp.float32)
    return {'input_ids': input_ids, 'emb': emb, 'W_enc': W_enc, 'b_enc': b_enc,
            'W_dec': W_dec, 'b_dec': b_dec, 'W_out': W_out, 'b_out': b_out}


def reference(input_ids, emb, W_enc, b_enc, W_dec, b_dec, W_out, b_out):
    gains = _prosody_gains(input_ids, TOPK)          # (B, T)
    x = emb[input_ids]                               # embedding gather (B, T, E)
    spikes_enc = _gif(x, W_enc, b_enc, gains, 0.3)   # encoder GIF
    decoded = _gif(spikes_enc, W_dec, b_dec, gains, 0.2)  # decoder GIF
    logits = jnp.einsum('bte,ev->btv', decoded, W_out) + b_out
    return logits

if __name__ == "__main__":
    import jax
    _d = setup_inputs()
    print(jax.jit(kernel)(*tuple(_d.values())))

</pallas_src>

<mosaic_0001>
#map = affine_map<(d0, d1) -> (0, 0)>
#map1 = affine_map<(d0, d1) -> (0)>
module attributes {stable_mosaic.version = 14 : i64} {
  func.func @gather_kernel(%arg0: i32, %arg1: i32, %arg2: memref<8192x768xf32, #tpu.memory_space<hbm>>, %arg3: memref<2048xi32, #tpu.memory_space<hbm>>, %arg4: memref<2048x768xf32, #tpu.memory_space<hbm>>, %arg5: memref<64xi32, #tpu.memory_space<vmem>>, %arg6: memref<64x768xf32, #tpu.memory_space<vmem>>, %arg7: memref<!tpu.dma_semaphore, #tpu.memory_space<semaphore_mem>>) attributes {dimension_semantics = [#tpu.dimension_semantics<core_parallel>, #tpu.dimension_semantics<subcore_parallel>], iteration_bounds = array<i64: 2, 16>, scalar_prefetch = 0 : i64, scratch_operands = 3 : i64, tpu.core_type = #tpu.core_type<sc_vector_subcore>, window_params = [{transform_indices = #map}, {transform_indices = #map1}, {transform_indices = #map}]} {
    %mul3A = arith.constant 2 : i32
    %mul3A_0 = arith.muli %arg1, %mul3A : i32
    %add3A = arith.addi %mul3A_0, %arg0 : i32
    %mul3A_1 = arith.constant 64 : i32
    %mul3A_2 = arith.muli %add3A, %mul3A_1 : i32
    "tpu.region"() ({
      %run_scoped3A = tpu.sem_alloc : memref<!tpu.dma_semaphore, #tpu.memory_space<semaphore_mem>>
      %dma_start3A_7 = tpu.memref_slice %arg3[%mul3A_2] : memref<2048xi32, #tpu.memory_space<hbm>> -> memref<64xi32, #tpu.memory_space<hbm>>
      %dma_start3A_8 = tpu.memref_slice %arg3[%mul3A_2] : memref<2048xi32, #tpu.memory_space<hbm>> -> memref<64xi32, #tpu.memory_space<hbm>>
      tpu.enqueue_dma source(%dma_start3A_8 : memref<64xi32, #tpu.memory_space<hbm>>) target(%arg5 : memref<64xi32, #tpu.memory_space<vmem>>) target_semaphore(%run_scoped3A : memref<!tpu.dma_semaphore, #tpu.memory_space<semaphore_mem>>)
      %dma_wait3A_9 = tpu.memref_slice %arg3[%mul3A_2] : memref<2048xi32, #tpu.memory_space<hbm>> -> memref<64xi32, #tpu.memory_space<hbm>>
      %dma_wait3A_10 = tpu.memref_slice %arg3[%mul3A_2] : memref<2048xi32, #tpu.memory_space<hbm>> -> memref<64xi32, #tpu.memory_space<hbm>>
      tpu.wait_dma2 semaphore(%run_scoped3A : memref<!tpu.dma_semaphore, #tpu.memory_space<semaphore_mem>>) src(%dma_wait3A_10 : memref<64xi32, #tpu.memory_space<hbm>>) dst(%arg5 : memref<64xi32, #tpu.memory_space<vmem>>)
      tpu.yield
    }) : () -> ()
    %dma_start3A = arith.constant 0 : i32
    %dma_start3A_3 = arith.constant 0 : i32
    %dma_start3A_4 = tpu.memref_slice %arg2[%dma_start3A, %dma_start3A_3] : memref<8192x768xf32, #tpu.memory_space<hbm>> -> memref<8192x768xf32, #tpu.memory_space<hbm>>
    tpu.enqueue_indirect_dma source(%dma_start3A_4 : memref<8192x768xf32, #tpu.memory_space<hbm>>) target(%arg6 : memref<64x768xf32, #tpu.memory_space<vmem>>) offsets(%arg5 : memref<64xi32, #tpu.memory_space<vmem>>) semaphore(%arg7 : memref<!tpu.dma_semaphore, #tpu.memory_space<semaphore_mem>>)
    %dma_wait3A = arith.constant 0 : i32
    %dma_wait3A_5 = arith.constant 0 : i32
    %dma_wait3A_6 = tpu.memref_slice %arg2[%dma_wait3A, %dma_wait3A_5] : memref<8192x768xf32, #tpu.memory_space<hbm>> -> memref<8192x768xf32, #tpu.memory_space<hbm>>
    tpu.wait_indirect_dma semaphore(%arg7 : memref<!tpu.dma_semaphore, #tpu.memory_space<semaphore_mem>>) src(%dma_wait3A_6 : memref<8192x768xf32, #tpu.memory_space<hbm>>) dst(%arg6 : memref<64x768xf32, #tpu.memory_space<vmem>>)
    "tpu.region"() ({
      %run_scoped3A = tpu.sem_alloc : memref<!tpu.dma_semaphore, #tpu.memory_space<semaphore_mem>>
      %dma_start3A_7 = arith.constant 0 : i32
      %dma_start3A_8 = tpu.memref_slice %arg4[%mul3A_2, %dma_start3A_7] : memref<2048x768xf32, #tpu.memory_space<hbm>> -> memref<64x768xf32, #tpu.memory_space<hbm>>
      %dma_start3A_9 = arith.constant 0 : i32
      %dma_start3A_10 = tpu.memref_slice %arg4[%mul3A_2, %dma_start3A_9] : memref<2048x768xf32, #tpu.memory_space<hbm>> -> memref<64x768xf32, #tpu.memory_space<hbm>>
      tpu.enqueue_dma source(%arg6 : memref<64x768xf32, #tpu.memory_space<vmem>>) target(%dma_start3A_10 : memref<64x768xf32, #tpu.memory_space<hbm>>) target_semaphore(%run_scoped3A : memref<!tpu.dma_semaphore, #tpu.memory_space<semaphore_mem>>)
      %dma_wait3A_11 = arith.constant 0 : i32
      %dma_wait3A_12 = tpu.memref_slice %arg4[%mul3A_2, %dma_wait3A_11] : memref<2048x768xf32, #tpu.memory_space<hbm>> -> memref<64x768xf32, #tpu.memory_space<hbm>>
      %dma_wait3A_13 = arith.constant 0 : i32
      %dma_wait3A_14 = tpu.memref_slice %arg4[%mul3A_2, %dma_wait3A_13] : memref<2048x768xf32, #tpu.memory_space<hbm>> -> memref<64x768xf32, #tpu.memory_space<hbm>>
      tpu.wait_dma2 semaphore(%run_scoped3A : memref<!tpu.dma_semaphore, #tpu.memory_space<semaphore_mem>>) src(%arg6 : memref<64x768xf32, #tpu.memory_space<vmem>>) dst(%dma_wait3A_14 : memref<64x768xf32, #tpu.memory_space<hbm>>)
      tpu.yield
    }) : () -> ()
    return
  }
}

module attributes {stable_mosaic.version = 14 : i64} {
  func.func @_gains_body(%arg0: memref<1x2048xi32, #tpu.memory_space<vmem>>, %arg1: memref<2048x1xf32, #tpu.memory_space<vmem>>) attributes {dimension_semantics = [], scalar_prefetch = 0 : i64, scratch_operands = 0 : i64, tpu.core_type = #tpu.core_type<tc>} {
    %get3A = arith.constant 0 : index
    %get3A_0 = arith.constant 0 : index
    %get3A_1 = vector.load %arg0[%get3A, %get3A_0] : memref<1x2048xi32, #tpu.memory_space<vmem>>, vector<1x2048xi32>
    %jit3A = arith.constant 97 : i32
    %eq3A = arith.constant 0 : i32
    %eq3A_2 = arith.cmpi eq, %jit3A, %eq3A : i32
    %jit3A_3 = arith.constant 1 : i32
    %select_n3A = arith.select %eq3A_2, %jit3A_3, %jit3A : i32
    %rem3A = vector.broadcast %select_n3A : i32 to vector<1x2048xi32>
    %rem3A_4 = arith.remsi %get3A_1, %rem3A : vector<1x2048xi32>
    %ne3A = arith.constant 0 : i32
    %ne3A_5 = vector.broadcast %ne3A : i32 to vector<1x2048xi32>
    %ne3A_6 = arith.cmpi ne, %rem3A_4, %ne3A_5 : vector<1x2048xi32>
    %lt3A = arith.constant 0 : i32
    %lt3A_7 = vector.broadcast %lt3A : i32 to vector<1x2048xi32>
    %lt3A_8 = arith.cmpi slt, %rem3A_4, %lt3A_7 : vector<1x2048xi32>
    %lt3A_9 = arith.constant 0 : i32
    %lt3A_10 = arith.cmpi slt, %select_n3A, %lt3A_9 : i32
    %ne3A_11 = vector.broadcast %lt3A_10 : i1 to vector<1x2048xi1>
    %ne3A_12 = vector.broadcast %ne3A_11 : vector<1x2048xi1> to vector<1x2048xi1>
    %ne3A_13 = arith.xori %lt3A_8, %ne3A_12 : vector<1x2048xi1>
    %and3A = arith.andi %ne3A_13, %ne3A_6 : vector<1x2048xi1>
    %add3A = vector.broadcast %select_n3A : i32 to vector<1x2048xi32>
    %add3A_14 = arith.addi %rem3A_4, %add3A : vector<1x2048xi32>
    %select_n3A_15 = arith.select %and3A, %add3A_14, %rem3A_4 : vector<1x2048xi1>, vector<1x2048xi32>
    %convert_element_type3A = arith.sitofp %select_n3A_15 : vector<1x2048xi32> to vector<1x2048xf32>
    %div3A = arith.constant 9.700000e+01 : f32
    %div3A_16 = vector.broadcast %div3A : f32 to vector<1x2048xf32>
    %div3A_17 = arith.divf %convert_element_type3A, %div3A_16 : vector<1x2048xf32>
    %jit3A_18 = arith.constant 31 : i32
    %eq3A_19 = arith.constant 0 : i32
    %eq3A_20 = arith.cmpi eq, %jit3A_18, %eq3A_19 : i32
    %jit3A_21 = arith.constant 1 : i32
    %select_n3A_22 = arith.select %eq3A_20, %jit3A_21, %jit3A_18 : i32
    %rem3A_23 = vector.broadcast %select_n3A_22 : i32 to vector<1x2048xi32>
    %rem3A_24 = arith.remsi %get3A_1, %rem3A_23 : vector<1x2048xi32>
    %ne3A_25 = arith.constant 0 : i32
    %ne3A_26 = vector.broadcast %ne3A_25 : i32 to vector<1x2048xi32>
    %ne3A_27 = arith.cmpi ne, %rem3A_24, %ne3A_26 : vector<1x2048xi32>
    %lt3A_28 = arith.constant 0 : i32
    %lt3A_29 = vector.broadcast %lt3A_28 : i32 to vector<1x2048xi32>
    %lt3A_30 = arith.cmpi slt, %rem3A_24, %lt3A_29 : vector<1x2048xi32>
    %lt3A_31 = arith.constant 0 : i32
    %lt3A_32 = arith.cmpi slt, %select_n3A_22, %lt3A_31 : i32
    %ne3A_33 = vector.broadcast %lt3A_32 : i1 to vector<1x2048xi1>
    %ne3A_34 = vector.broadcast %ne3A_33 : vector<1x2048xi1> to vector<1x2048xi1>
    %ne3A_35 = arith.xori %lt3A_30, %ne3A_34 : vector<1x2048xi1>
    %and3A_36 = arith.andi %ne3A_35, %ne3A_27 : vector<1x2048xi1>
    %add3A_37 = vector.broadcast %select_n3A_22 : i32 to vector<1x2048xi32>
    %add3A_38 = arith.addi %rem3A_24, %add3A_37 : vector<1x2048xi32>
    %select_n3A_39 = arith.select %and3A_36, %add3A_38, %rem3A_24 : vector<1x2048xi1>, vector<1x2048xi32>
    %convert_element_type3A_40 = arith.sitofp %select_n3A_39 : vector<1x2048xi32> to vector<1x2048xf32>
    %div3A_41 = arith.constant 3.100000e+01 : f32
    %div3A_42 = vector.broadcast %div3A_41 : f32 to vector<1x2048xf32>
    %div3A_43 = arith.divf %convert_element_type3A_40, %div3A_42 : vector<1x2048xf32>
    %jit3A_44 = arith.constant 50 : i32
    %eq3A_45 = arith.constant 0 : i32
    %eq3A_46 = arith.cmpi eq, %jit3A_44, %eq3A_45 : i32
    %jit3A_47 = arith.constant 1 : i32
    %select_n3A_48 = arith.select %eq3A_46, %jit3A_47, %jit3A_44 : i32
    %rem3A_49 = vector.broadcast %select_n3A_48 : i32 to vector<1x2048xi32>
    %rem3A_50 = arith.remsi %get3A_1, %rem3A_49 : vector<1x2048xi32>
    %ne3A_51 = arith.constant 0 : i32
    %ne3A_52 = vector.broadcast %ne3A_51 : i32 to vector<1x2048xi32>
    %ne3A_53 = arith.cmpi ne, %rem3A_50, %ne3A_52 : vector<1x2048xi32>
    %lt3A_54 = arith.constant 0 : i32
    %lt3A_55 = vector.broadcast %lt3A_54 : i32 to vector<1x2048xi32>
    %lt3A_56 = arith.cmpi slt, %rem3A_50, %lt3A_55 : vector<1x2048xi32>
    %lt3A_57 = arith.constant 0 : i32
    %lt3A_58 = arith.cmpi slt, %select_n3A_48, %lt3A_57 : i32
    %ne3A_59 = vector.broadcast %lt3A_58 : i1 to vector<1x2048xi1>
    %ne3A_60 = vector.broadcast %ne3A_59 : vector<1x2048xi1> to vector<1x2048xi1>
    %ne3A_61 = arith.xori %lt3A_56, %ne3A_60 : vector<1x2048xi1>
    %and3A_62 = arith.andi %ne3A_61, %ne3A_53 : vector<1x2048xi1>
    %add3A_63 = vector.broadcast %select_n3A_48 : i32 to vector<1x2048xi32>
    %add3A_64 = arith.addi %rem3A_50, %add3A_63 : vector<1x2048xi32>
    %select_n3A_65 = arith.select %and3A_62, %add3A_64, %rem3A_50 : vector<1x2048xi1>, vector<1x2048xi32>
    %eq3A_66 = arith.constant 0 : i32
    %eq3A_67 = vector.broadcast %eq3A_66 : i32 to vector<1x2048xi32>
    %eq3A_68 = arith.cmpi eq, %select_n3A_65, %eq3A_67 : vector<1x2048xi32>
    %convert_element_type3A_69 = arith.extui %eq3A_68 : vector<1x2048xi1> to vector<1x2048xi32>
    %convert_element_type3A_70 = arith.sitofp %convert_element_type3A_69 : vector<1x2048xi32> to vector<1x2048xf32>
    %mul3A = arith.constant 3.000000e-01 : f32
    %mul3A_71 = vector.broadcast %mul3A : f32 to vector<1x2048xf32>
    %mul3A_72 = arith.mulf %mul3A_71, %div3A_17 : vector<1x2048xf32>
    %add3A_73 = arith.constant 1.000000e+00 : f32
    %add3A_74 = vector.broadcast %add3A_73 : f32 to vector<1x2048xf32>
    %add3A_75 = arith.addf %add3A_74, %mul3A_72 : vector<1x2048xf32>
    %mul3A_76 = arith.constant 2.000000e-01 : f32
    %mul3A_77 = vector.broadcast %mul3A_76 : f32 to vector<1x2048xf32>
    %mul3A_78 = arith.mulf %mul3A_77, %div3A_43 : vector<1x2048xf32>
    %add3A_79 = arith.addf %add3A_75, %mul3A_78 : vector<1x2048xf32>
    %mul3A_80 = arith.constant 5.000000e-01 : f32
    %mul3A_81 = vector.broadcast %mul3A_80 : f32 to vector<1x2048xf32>
    %mul3A_82 = arith.mulf %mul3A_81, %convert_element_type3A_70 : vector<1x2048xf32>
    %add3A_83 = arith.addf %add3A_79, %mul3A_82 : vector<1x2048xf32>
    %iota3A = tpu.iota {dimensions = array<i32: 1>} : vector<1x2048xi32>
    %reduce_max3A = vector.shape_cast %add3A_83 : vector<1x2048xf32> to vector<1x1x2048xf32>
    %reduce_max3A_84 = arith.constant dense<0xFF800000> : vector<1xf32>
    %reduce_max3A_85 = vector.multi_reduction <maximumf>, %reduce_max3A, %reduce_max3A_84 [1, 2] : vector<1x1x2048xf32> to vector<1xf32>
    %reduce_max3A_86 = vector.shape_cast %reduce_max3A_85 : vector<1xf32> to vector<1x1x1xf32>
    %reduce_max3A_87 = vector.extract %reduce_max3A_86[0, 0, 0] : f32 from vector<1x1x1xf32>
    %eq3A_88 = vector.broadcast %reduce_max3A_87 : f32 to vector<1x2048xf32>
    %eq3A_89 = arith.cmpf oeq, %add3A_83, %eq3A_88 : vector<1x2048xf32>
    %jit3A_90 = arith.constant 2048 : i32
    %broadcast_in_dim3A = vector.broadcast %jit3A_90 : i32 to vector<1x2048xi32>
    %select_n3A_91 = arith.select %eq3A_89, %iota3A, %broadcast_in_dim3A : vector<1x2048xi1>, vector<1x2048xi32>
    %reduce_min3A = vector.shape_cast %select_n3A_91 : vector<1x2048xi32> to vector<1x1x2048xi32>
    %reduce_min3A_92 = arith.constant dense<2147483647> : vector<1xi32>
    %reduce_min3A_93 = vector.multi_reduction <minsi>, %reduce_min3A, %reduce_min3A_92 [1, 2] : vector<1x1x2048xi32> to vector<1xi32>
    %reduce_min3A_94 = vector.shape_cast %reduce_min3A_93 : vector<1xi32> to vector<1x1x1xi32>
    %reduce_min3A_95 = vector.extract %reduce_min3A_94[0, 0, 0] : i32 from vector<1x1x1xi32>
    %eq3A_96 = vector.broadcast %reduce_min3A_95 : i32 to vector<1x2048xi32>
    %eq3A_97 = arith.cmpi eq, %iota3A, %eq3A_96 : vector<1x2048xi32>
    %jit3A_98 = arith.constant 0xFF800000 : f32
    %broadcast_in_dim3A_99 = vector.broadcast %jit3A_98 : f32 to vector<1x2048xf32>
    %select_n3A_100 = arith.select %eq3A_97, %broadcast_in_dim3A_99, %add3A_83 : vector<1x2048xi1>, vector<1x2048xf32>
    %reduce_max3A_101 = vector.shape_cast %select_n3A_100 : vector<1x2048xf32> to vector<1x1x2048xf32>
    %reduce_max3A_102 = arith.constant dense<0xFF800000> : vector<1xf32>
    %reduce_max3A_103 = vector.multi_reduction <maximumf>, %reduce_max3A_101, %reduce_max3A_102 [1, 2] : vector<1x1x2048xf32> to vector<1xf32>
    %reduce_max3A_104 = vector.shape_cast %reduce_max3A_103 : vector<1xf32> to vector<1x1x1xf32>
    %reduce_max3A_105 = vector.extract %reduce_max3A_104[0, 0, 0] : f32 from vector<1x1x1xf32>
    %eq3A_106 = vector.broadcast %reduce_max3A_105 : f32 to vector<1x2048xf32>
    %eq3A_107 = arith.cmpf oeq, %select_n3A_100, %eq3A_106 : vector<1x2048xf32>
    %jit3A_108 = arith.constant 2048 : i32
    %broadcast_in_dim3A_109 = vector.broadcast %jit3A_108 : i32 to vector<1x2048xi32>
    %select_n3A_110 = arith.select %eq3A_107, %iota3A, %broadcast_in_dim3A_109 : vector<1x2048xi1>, vector<1x2048xi32>
    %reduce_min3A_111 = vector.shape_cast %select_n3A_110 : vector<1x2048xi32> to vector<1x1x2048xi32>
    %reduce_min3A_112 = arith.constant dense<2147483647> : vector<1xi32>
    %reduce_min3A_113 = vector.multi_reduction <minsi>, %reduce_min3A_111, %reduce_min3A_112 [1, 2] : vector<1x1x2048xi32> to vector<1xi32>
    %reduce_min3A_114 = vector.shape_cast %reduce_min3A_113 : vector<1xi32> to vector<1x1x1xi32>
    %reduce_min3A_115 = vector.extract %reduce_min3A_114[0, 0, 0] : i32 from vector<1x1x1xi32>
    %eq3A_116 = vector.broadcast %reduce_min3A_95 : i32 to vector<1x2048xi32>
    %eq3A_117 = arith.cmpi eq, %iota3A, %eq3A_116 : vector<1x2048xi32>
    %eq3A_118 = vector.broadcast %reduce_min3A_115 : i32 to vector<1x2048xi32>
    %eq3A_119 = arith.cmpi eq, %iota3A, %eq3A_118 : vector<1x2048xi32>
    %or3A = arith.ori %eq3A_117, %eq3A_119 : vector<1x2048xi1>
    %jit3A_120 = arith.constant 5.000000e-01 : f32
    %jit3A_121 = arith.constant 0.000000e+00 : f32
    %broadcast_in_dim3A_122 = vector.broadcast %jit3A_120 : f32 to vector<1x2048xf32>
    %broadcast_in_dim3A_123 = vector.broadcast %jit3A_121 : f32 to vector<1x2048xf32>
    %select_n3A_124 = arith.select %or3A, %broadcast_in_dim3A_122, %broadcast_in_dim3A_123 : vector<1x2048xi1>, vector<1x2048xf32>
    %add3A_125 = arith.addf %add3A_83, %select_n3A_124 : vector<1x2048xf32>
    %reshape3A = vector.shape_cast %add3A_125 : vector<1x2048xf32> to vector<2048x1xf32>
    %swap3A = arith.constant 0 : index
    %swap3A_126 = arith.constant 0 : index
    %swap3A_127 = vector.load %arg1[%swap3A, %swap3A_126] : memref<2048x1xf32, #tpu.memory_space<vmem>>, vector<2048x1xf32>
    tpu.vector_store %arg1[%swap3A, %swap3A_126], %reshape3A {strides = array<i32>} : memref<2048x1xf32, #tpu.memory_space<vmem>>, vector<2048x1xf32>,
    return
  }
}

module attributes {stable_mosaic.version = 14 : i64} {
  func.func @_logits_body(%arg0: i32, %arg1: memref<2048x768xbf16, #tpu.memory_space<vmem>>, %arg2: memref<768x1024xbf16, #tpu.memory_space<vmem>>, %arg3: memref<1x1024xf32, #tpu.memory_space<vmem>>, %arg4: memref<2048x1024xf32, #tpu.memory_space<vmem>>) attributes {dimension_semantics = [#tpu.dimension_semantics<arbitrary>], iteration_bounds = array<i64: 8>, scalar_prefetch = 0 : i64, scratch_operands = 0 : i64, tpu.core_type = #tpu.core_type<tc>, window_params = [{pipeline_mode = #tpu.pipeline_mode<synchronous>, transform_indices = @transform_0, window_bounds = array<i64: 2048, 768>}, {transform_indices = @transform_1, window_bounds = array<i64: 768, 1024>}, {transform_indices = @transform_2, window_bounds = array<i64: 1, 1024>}, {transform_indices = @transform_3, window_bounds = array<i64: 2048, 1024>}]} {
    %get3A = arith.constant 0 : index
    %get3A_0 = arith.constant 0 : index
    %get3A_1 = vector.load %arg1[%get3A, %get3A_0] : memref<2048x768xbf16, #tpu.memory_space<vmem>>, vector<2048x768xbf16>
    %get3A_2 = arith.constant 0 : index
    %get3A_3 = arith.constant 0 : index
    %get3A_4 = vector.load %arg2[%get3A_2, %get3A_3] : memref<768x1024xbf16, #tpu.memory_space<vmem>>, vector<768x1024xbf16>
    %dot_general3A = arith.constant dense<0.000000e+00> : vector<2048x1024xf32>
    %dot_general3A_5 = tpu.matmul %get3A_1, %get3A_4, %dot_general3A {dimension_numbers = #tpu.dot_dimension_numbers<[1], [0], [0], [1], [0, 0, 1, 1], [], []>, transpose_lhs_hint = false} : vector<2048x768xbf16>, vector<768x1024xbf16>, vector<2048x1024xf32> -> vector<2048x1024xf32>
    %get3A_6 = arith.constant 0 : index
    %get3A_7 = arith.constant 0 : index
    %get3A_8 = vector.load %arg3[%get3A_6, %get3A_7] : memref<1x1024xf32, #tpu.memory_space<vmem>>, vector<1x1024xf32>
    %add3A = vector.broadcast %get3A_8 : vector<1x1024xf32> to vector<2048x1024xf32>
    %add3A_9 = arith.addf %dot_general3A_5, %add3A : vector<2048x1024xf32>
    %swap3A = arith.constant 0 : index
    %swap3A_10 = arith.constant 0 : index
    %swap3A_11 = vector.load %arg4[%swap3A, %swap3A_10] : memref<2048x1024xf32, #tpu.memory_space<vmem>>, vector<2048x1024xf32>
    tpu.vector_store %arg4[%swap3A, %swap3A_10], %add3A_9 {strides = array<i32>} : memref<2048x1024xf32, #tpu.memory_space<vmem>>, vector<2048x1024xf32>,
    return
  }
  func.func @transform_0(%arg0: i32) -> (i32, i32) {
    %c0_i32 = arith.constant 0 : i32
    %c0_i32_0 = arith.constant 0 : i32
    %c0_i32_1 = arith.constant 0 : i32
    return %c0_i32, %c0_i32_0 : i32, i32
  }
  func.func @transform_1(%arg0: i32) -> (i32, i32) {
    %c0_i32 = arith.constant 0 : i32
    %c0_i32_0 = arith.constant 0 : i32
    return %c0_i32, %arg0 : i32, i32
  }
  func.func @transform_2(%arg0: i32) -> (i32, i32) {
    %c0_i32 = arith.constant 0 : i32
    %c0_i32_0 = arith.constant 0 : i32
    return %c0_i32, %arg0 : i32, i32
  }
  func.func @transform_3(%arg0: i32) -> (i32, i32) {
    %c0_i32 = arith.constant 0 : i32
    %c0_i32_0 = arith.constant 0 : i32
    return %c0_i32, %arg0 : i32, i32
  }
}

module attributes {stable_mosaic.version = 14 : i64} {
  func.func @_encdec_body(%arg0: i32, %arg1: memref<256x768xf32, #tpu.memory_space<vmem>>, %arg2: memref<768x1024xf32, #tpu.memory_space<vmem>>, %arg3: memref<1x1024xf32, #tpu.memory_space<vmem>>, %arg4: memref<1024x768xf32, #tpu.memory_space<vmem>>, %arg5: memref<1x768xf32, #tpu.memory_space<vmem>>, %arg6: memref<2048x1xf32, #tpu.memory_space<vmem>>, %arg7: memref<768x1024xf32, #tpu.memory_space<vmem>>, %arg8: memref<256x768xbf16, #tpu.memory_space<vmem>>, %arg9: memref<768x1024xbf16, #tpu.memory_space<vmem>>, %arg10: memref<256x1024xf32, #tpu.memory_space<vmem>>, %arg11: memref<256x1024xf32, #tpu.memory_space<vmem>>, %arg12: memref<256x768xf32, #tpu.memory_space<vmem>>, %arg13: memref<256x768xf32, #tpu.memory_space<vmem>>, %arg14: memref<1x1024xf32, #tpu.memory_space<vmem>>, %arg15: memref<1x768xf32, #tpu.memory_space<vmem>>) attributes {dimension_semantics = [#tpu.dimension_semantics<arbitrary>], iteration_bounds = array<i64: 9>, scalar_prefetch = 0 : i64, scratch_operands = 6 : i64, tpu.core_type = #tpu.core_type<tc>, window_params = [{transform_indices = @transform_0, window_bounds = array<i64: 256, 768>}, {pipeline_mode = #tpu.pipeline_mode<synchronous>, transform_indices = @transform_1, window_bounds = array<i64: 768, 1024>}, {pipeline_mode = #tpu.pipeline_mode<synchronous>, transform_indices = @transform_2, window_bounds = array<i64: 1, 1024>}, {pipeline_mode = #tpu.pipeline_mode<synchronous>, transform_indices = @transform_3, window_bounds = array<i64: 1024, 768>}, {pipeline_mode = #tpu.pipeline_mode<synchronous>, transform_indices = @transform_4, window_bounds = array<i64: 1, 768>}, {pipeline_mode = #tpu.pipeline_mode<synchronous>, transform_indices = @transform_5, window_bounds = array<i64: 2048, 1>}, {transform_indices = @transform_6, window_bounds = array<i64: 768, 1024>}, {transform_indices = @transform_7, window_bounds = array<i64: 256, 768>}, {transform_indices = @transform_8, window_bounds = array<i64: 768, 1024>}]} {
    %eq3A = arith.constant 0 : i32
    %eq3A_0 = arith.cmpi eq, %arg0, %eq3A : i32
    %convert_element_type3A = arith.extui %eq3A_0 : i1 to i32
    %cond3A = arith.constant 0 : i32
    %cond3A_1 = arith.cmpi ne, %convert_element_type3A, %cond3A : i32
    scf.if %cond3A_1 {
      %broadcast_in_dim3A = arith.constant 0.000000e+00 : f32
      %broadcast_in_dim3A_27 = vector.broadcast %broadcast_in_dim3A : f32 to vector<1x1024xf32>
      %swap3A = arith.constant 0 : index
      %swap3A_28 = arith.constant 0 : index
      %swap3A_29 = vector.load %arg14[%swap3A, %swap3A_28] : memref<1x1024xf32, #tpu.memory_space<vmem>>, vector<1x1024xf32>
      tpu.vector_store %arg14[%swap3A, %swap3A_28], %broadcast_in_dim3A_27 {strides = array<i32>} : memref<1x1024xf32, #tpu.memory_space<vmem>>, vector<1x1024xf32>,
      %broadcast_in_dim3A_30 = arith.constant 0.000000e+00 : f32
      %broadcast_in_dim3A_31 = vector.broadcast %broadcast_in_dim3A_30 : f32 to vector<1x768xf32>
      %swap3A_32 = arith.constant 0 : index
      %swap3A_33 = arith.constant 0 : index
      %swap3A_34 = vector.load %arg15[%swap3A_32, %swap3A_33] : memref<1x768xf32, #tpu.memory_space<vmem>>, vector<1x768xf32>
      tpu.vector_store %arg15[%swap3A_32, %swap3A_33], %broadcast_in_dim3A_31 {strides = array<i32>} : memref<1x768xf32, #tpu.memory_space<vmem>>, vector<1x768xf32>,
    } else {
    }
    %lt3A = arith.constant 8 : i32
    %lt3A_2 = arith.cmpi slt, %arg0, %lt3A : i32
    %convert_element_type3A_3 = arith.extui %lt3A_2 : i1 to i32
    %cond3A_4 = arith.constant 0 : i32
    %cond3A_5 = arith.cmpi ne, %convert_element_type3A_3, %cond3A_4 : i32
    scf.if %cond3A_5 {
      %get3A = arith.constant 0 : index
      %get3A_27 = arith.constant 0 : index
      %get3A_28 = vector.load %arg7[%get3A, %get3A_27] : memref<768x1024xf32, #tpu.memory_space<vmem>>, vector<768x1024xf32>
      %convert_element_type3A_29 = arith.truncf %get3A_28 : vector<768x1024xf32> to vector<768x1024xbf16>
      %swap3A = arith.constant 0 : index
      %swap3A_30 = arith.constant 0 : index
      %swap3A_31 = vector.load %arg9[%swap3A, %swap3A_30] : memref<768x1024xbf16, #tpu.memory_space<vmem>>, vector<768x1024xbf16>
      tpu.vector_store %arg9[%swap3A, %swap3A_30], %convert_element_type3A_29 {strides = array<i32>} : memref<768x1024xbf16, #tpu.memory_space<vmem>>, vector<768x1024xbf16>,
    } else {
    }
    %gt3A = arith.constant 0 : i32
    %gt3A_6 = arith.cmpi sgt, %arg0, %gt3A : i32
    %convert_element_type3A_7 = arith.extui %gt3A_6 : i1 to i32
    %cond3A_8 = arith.constant 0 : i32
    %cond3A_9 = arith.cmpi ne, %convert_element_type3A_7, %cond3A_8 : i32
    scf.if %cond3A_9 {
      %sub3A = arith.constant 1 : i32
      %sub3A_27 = arith.subi %arg0, %sub3A : i32
      %mul3A = arith.constant 256 : i32
      %mul3A_28 = arith.muli %sub3A_27, %mul3A : i32
      %get3A = arith.index_cast %mul3A_28 : i32 to index
      %get3A_29 = arith.constant 0 : index
      %get3A_30 = vector.load %arg6[%get3A, %get3A_29] : memref<2048x1xf32, #tpu.memory_space<vmem>>, vector<256x1xf32>
      %sub3A_31 = arith.constant 1.000000e+00 : f32
      %sub3A_32 = vector.broadcast %sub3A_31 : f32 to vector<256x1xf32>
      %sub3A_33 = arith.subf %get3A_30, %sub3A_32 : vector<256x1xf32>
      %mul3A_34 = arith.constant 2.000000e-01 : f32
      %mul3A_35 = vector.broadcast %mul3A_34 : f32 to vector<256x1xf32>
      %mul3A_36 = arith.mulf %mul3A_35, %sub3A_33 : vector<256x1xf32>
      %add3A = arith.constant 1.000000e+00 : f32
      %add3A_37 = vector.broadcast %add3A : f32 to vector<256x1xf32>
      %add3A_38 = arith.addf %add3A_37, %mul3A_36 : vector<256x1xf32>
      %get3A_39 = arith.constant 0 : index
      %get3A_40 = arith.constant 0 : index
      %get3A_41 = vector.load %arg11[%get3A_39, %get3A_40] : memref<256x1024xf32, #tpu.memory_space<vmem>>, vector<256x1024xf32>
      %get3A_42 = arith.constant 0 : index
      %get3A_43 = arith.constant 0 : index
      %get3A_44 = vector.load %arg4[%get3A_42, %get3A_43] : memref<1024x768xf32, #tpu.memory_space<vmem>>, vector<1024x768xf32>
      %dot_general3A = arith.constant dense<0.000000e+00> : vector<256x768xf32>
      %dot_general3A_45 = tpu.matmul %get3A_41, %get3A_44, %dot_general3A {dimension_numbers = #tpu.dot_dimension_numbers<[1], [0], [0], [1], [0, 0, 1, 1], [], []>, transpose_lhs_hint = false} : vector<256x1024xf32>, vector<1024x768xf32>, vector<256x768xf32> -> vector<256x768xf32>
      %mul3A_46 = arith.constant 6.250000e-02 : f32
      %mul3A_47 = vector.broadcast %mul3A_46 : f32 to vector<256x768xf32>
      %mul3A_48 = arith.mulf %dot_general3A_45, %mul3A_47 : vector<256x768xf32>
      %get3A_49 = arith.constant 0 : index
      %get3A_50 = arith.constant 0 : index
      %get3A_51 = vector.load %arg5[%get3A_49, %get3A_50] : memref<1x768xf32, #tpu.memory_space<vmem>>, vector<1x768xf32>
      %add3A_52 = vector.broadcast %get3A_51 : vector<1x768xf32> to vector<256x768xf32>
      %add3A_53 = arith.addf %mul3A_48, %add3A_52 : vector<256x768xf32>
      %mul3A_54 = vector.broadcast %add3A_38 : vector<256x1xf32> to vector<256x768xf32>
      %mul3A_55 = arith.mulf %add3A_53, %mul3A_54 : vector<256x768xf32>
      %mul3A_56 = arith.constant 1.600000e+01 : f32
      %mul3A_57 = vector.broadcast %mul3A_56 : f32 to vector<256x768xf32>
      %mul3A_58 = arith.mulf %mul3A_55, %mul3A_57 : vector<256x768xf32>
      %swap3A = arith.constant 0 : index
      %swap3A_59 = arith.constant 0 : index
      %swap3A_60 = vector.load %arg12[%swap3A, %swap3A_59] : memref<256x768xf32, #tpu.memory_space<vmem>>, vector<256x768xf32>
      tpu.vector_store %arg12[%swap3A, %swap3A_59], %mul3A_58 {strides = array<i32>} : memref<256x768xf32, #tpu.memory_space<vmem>>, vector<256x768xf32>,
    } else {
    }
    %gt3A_10 = arith.constant 0 : i32
    %gt3A_11 = arith.cmpi sgt, %arg0, %gt3A_10 : i32
    %eq3A_12 = arith.constant 8 : i32
    %eq3A_13 = arith.cmpi eq, %arg0, %eq3A_12 : i32
    %and3A = arith.andi %gt3A_11, %eq3A_13 : i1
    %convert_element_type3A_14 = arith.extui %and3A : i1 to i32
    %cond3A_15 = arith.constant 0 : i32
    %cond3A_16 = arith.cmpi ne, %convert_element_type3A_14, %cond3A_15 : i32
    scf.if %cond3A_16 {
      %get3A = arith.constant 0 : index
      %get3A_27 = arith.constant 0 : index
      %get3A_28 = vector.load %arg15[%get3A, %get3A_27] : memref<1x768xf32, #tpu.memory_space<vmem>>, vector<1x768xf32>
      %scan3A = arith.constant 0 : i32
      %scan3A_29 = arith.constant 256 : i32
      %scan3A_30 = arith.addi %scan3A, %scan3A_29 : i32
      %scan3A_31 = arith.constant 8 : i32
      %scan3A_32 = scf.for %scan3A_36 = %scan3A to %scan3A_30 step %scan3A_31 iter_args(%scan3A_37 = %get3A_28) -> (vector<1x768xf32>)  : i32 {
        %mul3A = arith.constant 0.899999976 : f32
        %mul3A_38 = vector.broadcast %mul3A : f32 to vector<1x768xf32>
        %mul3A_39 = arith.mulf %mul3A_38, %scan3A_37 : vector<1x768xf32>
        %get3A_40 = arith.index_cast %scan3A_36 : i32 to index
        %get3A_41 = arith.constant 0 : index
        %get3A_42 = vector.load %arg12[%get3A_40, %get3A_41] : memref<256x768xf32, #tpu.memory_space<vmem>>, vector<1x768xf32>
        %add3A = arith.addf %mul3A_39, %get3A_42 : vector<1x768xf32>
        %round3A = math.roundeven %add3A : vector<1x768xf32>
        %max3A = arith.constant 0.000000e+00 : f32
        %max3A_43 = vector.broadcast %max3A : f32 to vector<1x768xf32>
        %max3A_44 = arith.maximumf %round3A, %max3A_43 : vector<1x768xf32>
        %min3A = arith.constant 1.600000e+01 : f32
        %min3A_45 = vector.broadcast %min3A : f32 to vector<1x768xf32>
        %min3A_46 = arith.minimumf %max3A_44, %min3A_45 : vector<1x768xf32>
        %swap3A_47 = arith.index_cast %scan3A_36 : i32 to index
        %swap3A_48 = arith.constant 0 : index
        %swap3A_49 = vector.load %arg13[%swap3A_47, %swap3A_48] : memref<256x768xf32, #tpu.memory_space<vmem>>, vector<1x768xf32>
        tpu.vector_store %arg13[%swap3A_47, %swap3A_48], %min3A_46 {strides = array<i32>} : memref<256x768xf32, #tpu.memory_space<vmem>>, vector<1x768xf32>,
        %sub3A = arith.subf %add3A, %min3A_46 : vector<1x768xf32>
        %scan3A_50 = arith.constant 1 : i32
        %scan3A_51 = arith.addi %scan3A_36, %scan3A_50 : i32
        %mul3A_52 = arith.constant 0.899999976 : f32
        %mul3A_53 = vector.broadcast %mul3A_52 : f32 to vector<1x768xf32>
        %mul3A_54 = arith.mulf %mul3A_53, %sub3A : vector<1x768xf32>
        %get3A_55 = arith.index_cast %scan3A_51 : i32 to index
        %get3A_56 = arith.constant 0 : index
        %get3A_57 = vector.load %arg12[%get3A_55, %get3A_56] : memref<256x768xf32, #tpu.memory_space<vmem>>, vector<1x768xf32>
        %add3A_58 = arith.addf %mul3A_54, %get3A_57 : vector<1x768xf32>
        %round3A_59 = math.roundeven %add3A_58 : vector<1x768xf32>
        %max3A_60 = arith.constant 0.000000e+00 : f32
        %max3A_61 = vector.broadcast %max3A_60 : f32 to vector<1x768xf32>
        %max3A_62 = arith.maximumf %round3A_59, %max3A_61 : vector<1x768xf32>
        %min3A_63 = arith.constant 1.600000e+01 : f32
        %min3A_64 = vector.broadcast %min3A_63 : f32 to vector<1x768xf32>
        %min3A_65 = arith.minimumf %max3A_62, %min3A_64 : vector<1x768xf32>
        %swap3A_66 = arith.index_cast %scan3A_51 : i32 to index
        %swap3A_67 = arith.constant 0 : index
        %swap3A_68 = vector.load %arg13[%swap3A_66, %swap3A_67] : memref<256x768xf32, #tpu.memory_space<vmem>>, vector<1x768xf32>
        tpu.vector_store %arg13[%swap3A_66, %swap3A_67], %min3A_65 {strides = array<i32>} : memref<256x768xf32, #tpu.memory_space<vmem>>, vector<1x768xf32>,
        %sub3A_69 = arith.subf %add3A_58, %min3A_65 : vector<1x768xf32>
        %scan3A_70 = arith.constant 2 : i32
        %scan3A_71 = arith.addi %scan3A_36, %scan3A_70 : i32
        %mul3A_72 = arith.constant 0.899999976 : f32
        %mul3A_73 = vector.broadcast %mul3A_72 : f32 to vector<1x768xf32>
        %mul3A_74 = arith.mulf %mul3A_73, %sub3A_69 : vector<1x768xf32>
        %get3A_75 = arith.index_cast %scan3A_71 : i32 to index
        %get3A_76 = arith.constant 0 : index
        %get3A_77 = vector.load %arg12[%get3A_75, %get3A_76] : memref<256x768xf32, #tpu.memory_space<vmem>>, vector<1x768xf32>
        %add3A_78 = arith.addf %mul3A_74, %get3A_77 : vector<1x768xf32>
        %round3A_79 = math.roundeven %add3A_78 : vector<1x768xf32>
        %max3A_80 = arith.constant 0.000000e+00 : f32
        %max3A_81 = vector.broadcast %max3A_80 : f32 to vector<1x768xf32>
        %max3A_82 = arith.maximumf %round3A_79, %max3A_81 : vector<1x768xf32>
        %min3A_83 = arith.constant 1.600000e+01 : f32
        %min3A_84 = vector.broadcast %min3A_83 : f32 to vector<1x768xf32>
        %min3A_85 = arith.minimumf %max3A_82, %min3A_84 : vector<1x768xf32>
        %swap3A_86 = arith.index_cast %scan3A_71 : i32 to index
        %swap3A_87 = arith.constant 0 : index
        %swap3A_88 = vector.load %arg13[%swap3A_86, %swap3A_87] : memref<256x768xf32, #tpu.memory_space<vmem>>, vector<1x768xf32>
        tpu.vector_store %arg13[%swap3A_86, %swap3A_87], %min3A_85 {strides = array<i32>} : memref<256x768xf32, #tpu.memory_space<vmem>>, vector<1x768xf32>,
        %sub3A_89 = arith.subf %add3A_78, %min3A_85 : vector<1x768xf32>
        %scan3A_90 = arith.constant 3 : i32
        %scan3A_91 = arith.addi %scan3A_36, %scan3A_90 : i32
        %mul3A_92 = arith.constant 0.899999976 : f32
        %mul3A_93 = vector.broadcast %mul3A_92 : f32 to vector<1x768xf32>
        %mul3A_94 = arith.mulf %mul3A_93, %sub3A_89 : vector<1x768xf32>
        %get3A_95 = arith.index_cast %scan3A_91 : i32 to index
        %get3A_96 = arith.constant 0 : index
        %get3A_97 = vector.load %arg12[%get3A_95, %get3A_96] : memref<256x768xf32, #tpu.memory_space<vmem>>, vector<1x768xf32>
        %add3A_98 = arith.addf %mul3A_94, %get3A_97 : vector<1x768xf32>
        %round3A_99 = math.roundeven %add3A_98 : vector<1x768xf32>
        %max3A_100 = arith.constant 0.000000e+00 : f32
        %max3A_101 = vector.broadcast %max3A_100 : f32 to vector<1x768xf32>
        %max3A_102 = arith.maximumf %round3A_99, %max3A_101 : vector<1x768xf32>
        %min3A_103 = arith.constant 1.600000e+01 : f32
        %min3A_104 = vector.broadcast %min3A_103 : f32 to vector<1x768xf32>
        %min3A_105 = arith.minimumf %max3A_102, %min3A_104 : vector<1x768xf32>
        %swap3A_106 = arith.index_cast %scan3A_91 : i32 to index
        %swap3A_107 = arith.constant 0 : index
        %swap3A_108 = vector.load %arg13[%swap3A_106, %swap3A_107] : memref<256x768xf32, #tpu.memory_space<vmem>>, vector<1x768xf32>
        tpu.vector_store %arg13[%swap3A_106, %swap3A_107], %min3A_105 {strides = array<i32>} : memref<256x768xf32, #tpu.memory_space<vmem>>, vector<1x768xf32>,
        %sub3A_109 = arith.subf %add3A_98, %min3A_105 : vector<1x768xf32>
        %scan3A_110 = arith.constant 4 : i32
        %scan3A_111 = arith.addi %scan3A_36, %scan3A_110 : i32
        %mul3A_112 = arith.constant 0.899999976 : f32
        %mul3A_113 = vector.broadcast %mul3A_112 : f32 to vector<1x768xf32>
        %mul3A_114 = arith.mulf %mul3A_113, %sub3A_109 : vector<1x768xf32>
        %get3A_115 = arith.index_cast %scan3A_111 : i32 to index
        %get3A_116 = arith.constant 0 : index
        %get3A_117 = vector.load %arg12[%get3A_115, %get3A_116] : memref<256x768xf32, #tpu.memory_space<vmem>>, vector<1x768xf32>
        %add3A_118 = arith.addf %mul3A_114, %get3A_117 : vector<1x768xf32>
        %round3A_119 = math.roundeven %add3A_118 : vector<1x768xf32>
        %max3A_120 = arith.constant 0.000000e+00 : f32
        %max3A_121 = vector.broadcast %max3A_120 : f32 to vector<1x768xf32>
        %max3A_122 = arith.maximumf %round3A_119, %max3A_121 : vector<1x768xf32>
        %min3A_123 = arith.constant 1.600000e+01 : f32
        %min3A_124 = vector.broadcast %min3A_123 : f32 to vector<1x768xf32>
        %min3A_125 = arith.minimumf %max3A_122, %min3A_124 : vector<1x768xf32>
        %swap3A_126 = arith.index_cast %scan3A_111 : i32 to index
        %swap3A_127 = arith.constant 0 : index
        %swap3A_128 = vector.load %arg13[%swap3A_126, %swap3A_127] : memref<256x768xf32, #tpu.memory_space<vmem>>, vector<1x768xf32>
        tpu.vector_store %arg13[%swap3A_126, %swap3A_127], %min3A_125 {strides = array<i32>} : memref<256x768xf32, #tpu.memory_space<vmem>>, vector<1x768xf32>,
        %sub3A_129 = arith.subf %add3A_118, %min3A_125 : vector<1x768xf32>
        %scan3A_130 = arith.constant 5 : i32
        %scan3A_131 = arith.addi %scan3A_36, %scan3A_130 : i32
        %mul3A_132 = arith.constant 0.899999976 : f32
        %mul3A_133 = vector.broadcast %mul3A_132 : f32 to vector<1x768xf32>
        %mul3A_134 = arith.mulf %mul3A_133, %sub3A_129 : vector<1x768xf32>
        %get3A_135 = arith.index_cast %scan3A_131 : i32 to index
        %get3A_136 = arith.constant 0 : index
        %get3A_137 = vector.load %arg12[%get3A_135, %get3A_136] : memref<256x768xf32, #tpu.memory_space<vmem>>, vector<1x768xf32>
        %add3A_138 = arith.addf %mul3A_134, %get3A_137 : vector<1x768xf32>
        %round3A_139 = math.roundeven %add3A_138 : vector<1x768xf32>
        %max3A_140 = arith.constant 0.000000e+00 : f32
        %max3A_141 = vector.broadcast %max3A_140 : f32 to vector<1x768xf32>
        %max3A_142 = arith.maximumf %round3A_139, %max3A_141 : vector<1x768xf32>
        %min3A_143 = arith.constant 1.600000e+01 : f32
        %min3A_144 = vector.broadcast %min3A_143 : f32 to vector<1x768xf32>
        %min3A_145 = arith.minimumf %max3A_142, %min3A_144 : vector<1x768xf32>
        %swap3A_146 = arith.index_cast %scan3A_131 : i32 to index
        %swap3A_147 = arith.constant 0 : index
        %swap3A_148 = vector.load %arg13[%swap3A_146, %swap3A_147] : memref<256x768xf32, #tpu.memory_space<vmem>>, vector<1x768xf32>
        tpu.vector_store %arg13[%swap3A_146, %swap3A_147], %min3A_145 {strides = array<i32>} : memref<256x768xf32, #tpu.memory_space<vmem>>, vector<1x768xf32>,
        %sub3A_149 = arith.subf %add3A_138, %min3A_145 : vector<1x768xf32>
        %scan3A_150 = arith.constant 6 : i32
        %scan3A_151 = arith.addi %scan3A_36, %scan3A_150 : i32
        %mul3A_152 = arith.constant 0.899999976 : f32
        %mul3A_153 = vector.broadcast %mul3A_152 : f32 to vector<1x768xf32>
        %mul3A_154 = arith.mulf %mul3A_153, %sub3A_149 : vector<1x768xf32>
        %get3A_155 = arith.index_cast %scan3A_151 : i32 to index
        %get3A_156 = arith.constant 0 : index
        %get3A_157 = vector.load %arg12[%get3A_155, %get3A_156] : memref<256x768xf32, #tpu.memory_space<vmem>>, vector<1x768xf32>
        %add3A_158 = arith.addf %mul3A_154, %get3A_157 : vector<1x768xf32>
        %round3A_159 = math.roundeven %add3A_158 : vector<1x768xf32>
        %max3A_160 = arith.constant 0.000000e+00 : f32
        %max3A_161 = vector.broadcast %max3A_160 : f32 to vector<1x768xf32>
        %max3A_162 = arith.maximumf %round3A_159, %max3A_161 : vector<1x768xf32>
        %min3A_163 = arith.constant 1.600000e+01 : f32
        %min3A_164 = vector.broadcast %min3A_163 : f32 to vector<1x768xf32>
        %min3A_165 = arith.minimumf %max3A_162, %min3A_164 : vector<1x768xf32>
        %swap3A_166 = arith.index_cast %scan3A_151 : i32 to index
        %swap3A_167 = arith.constant 0 : index
        %swap3A_168 = vector.load %arg13[%swap3A_166, %swap3A_167] : memref<256x768xf32, #tpu.memory_space<vmem>>, vector<1x768xf32>
        tpu.vector_store %arg13[%swap3A_166, %swap3A_167], %min3A_165 {strides = array<i32>} : memref<256x768xf32, #tpu.memory_space<vmem>>, vector<1x768xf32>,
        %sub3A_169 = arith.subf %add3A_158, %min3A_165 : vector<1x768xf32>
        %scan3A_170 = arith.constant 7 : i32
        %scan3A_171 = arith.addi %scan3A_36, %scan3A_170 : i32
        %mul3A_172 = arith.constant 0.899999976 : f32
        %mul3A_173 = vector.broadcast %mul3A_172 : f32 to vector<1x768xf32>
        %mul3A_174 = arith.mulf %mul3A_173, %sub3A_169 : vector<1x768xf32>
        %get3A_175 = arith.index_cast %scan3A_171 : i32 to index
        %get3A_176 = arith.constant 0 : index
        %get3A_177 = vector.load %arg12[%get3A_175, %get3A_176] : memref<256x768xf32, #tpu.memory_space<vmem>>, vector<1x768xf32>
        %add3A_178 = arith.addf %mul3A_174, %get3A_177 : vector<1x768xf32>
        %round3A_179 = math.roundeven %add3A_178 : vector<1x768xf32>
        %max3A_180 = arith.constant 0.000000e+00 : f32
        %max3A_181 = vector.broadcast %max3A_180 : f32 to vector<1x768xf32>
        %max3A_182 = arith.maximumf %round3A_179, %max3A_181 : vector<1x768xf32>
        %min3A_183 = arith.constant 1.600000e+01 : f32
        %min3A_184 = vector.broadcast %min3A_183 : f32 to vector<1x768xf32>
        %min3A_185 = arith.minimumf %max3A_182, %min3A_184 : vector<1x768xf32>
        %swap3A_186 = arith.index_cast %scan3A_171 : i32 to index
        %swap3A_187 = arith.constant 0 : index
        %swap3A_188 = vector.load %arg13[%swap3A_186, %swap3A_187] : memref<256x768xf32, #tpu.memory_space<vmem>>, vector<1x768xf32>
        tpu.vector_store %arg13[%swap3A_186, %swap3A_187], %min3A_185 {strides = array<i32>} : memref<256x768xf32, #tpu.memory_space<vmem>>, vector<1x768xf32>,
        %sub3A_189 = arith.subf %add3A_178, %min3A_185 : vector<1x768xf32>
        scf.yield %sub3A_189 : vector<1x768xf32>
      }
      %scan3A_33 = arith.constant 256 : i32
      %swap3A = arith.constant 0 : index
      %swap3A_34 = arith.constant 0 : index
      %swap3A_35 = vector.load %arg15[%swap3A, %swap3A_34] : memref<1x768xf32, #tpu.memory_space<vmem>>, vector<1x768xf32>
      tpu.vector_store %arg15[%swap3A, %swap3A_34], %scan3A_32 {strides = array<i32>} : memref<1x768xf32, #tpu.memory_space<vmem>>, vector<1x768xf32>,
    } else {
    }
    %lt3A_17 = arith.constant 8 : i32
    %lt3A_18 = arith.cmpi slt, %arg0, %lt3A_17 : i32
    %convert_element_type3A_19 = arith.extui %lt3A_18 : i1 to i32
    %cond3A_20 = arith.constant 0 : i32
    %cond3A_21 = arith.cmpi ne, %convert_element_type3A_19, %cond3A_20 : i32
    scf.if %cond3A_21 {
      %mul3A = arith.constant 256 : i32
      %mul3A_27 = arith.muli %arg0, %mul3A : i32
      %get3A = arith.index_cast %mul3A_27 : i32 to index
      %get3A_28 = arith.constant 0 : index
      %get3A_29 = vector.load %arg6[%get3A, %get3A_28] : memref<2048x1xf32, #tpu.memory_space<vmem>>, vector<256x1xf32>
      %sub3A = arith.constant 1.000000e+00 : f32
      %sub3A_30 = vector.broadcast %sub3A : f32 to vector<256x1xf32>
      %sub3A_31 = arith.subf %get3A_29, %sub3A_30 : vector<256x1xf32>
      %mul3A_32 = arith.constant 3.000000e-01 : f32
      %mul3A_33 = vector.broadcast %mul3A_32 : f32 to vector<256x1xf32>
      %mul3A_34 = arith.mulf %mul3A_33, %sub3A_31 : vector<256x1xf32>
      %add3A = arith.constant 1.000000e+00 : f32
      %add3A_35 = vector.broadcast %add3A : f32 to vector<256x1xf32>
      %add3A_36 = arith.addf %add3A_35, %mul3A_34 : vector<256x1xf32>
      %get3A_37 = arith.constant 0 : index
      %get3A_38 = arith.constant 0 : index
      %get3A_39 = vector.load %arg1[%get3A_37, %get3A_38] : memref<256x768xf32, #tpu.memory_space<vmem>>, vector<256x768xf32>
      %get3A_40 = arith.constant 0 : index
      %get3A_41 = arith.constant 0 : index
      %get3A_42 = vector.load %arg2[%get3A_40, %get3A_41] : memref<768x1024xf32, #tpu.memory_space<vmem>>, vector<768x1024xf32>
      %dot_general3A = arith.constant dense<0.000000e+00> : vector<256x1024xf32>
      %dot_general3A_43 = tpu.matmul %get3A_39, %get3A_42, %dot_general3A {dimension_numbers = #tpu.dot_dimension_numbers<[1], [0], [0], [1], [0, 0, 1, 1], [], []>, transpose_lhs_hint = false} : vector<256x768xf32>, vector<768x1024xf32>, vector<256x1024xf32> -> vector<256x1024xf32>
      %get3A_44 = arith.constant 0 : index
      %get3A_45 = arith.constant 0 : index
      %get3A_46 = vector.load %arg3[%get3A_44, %get3A_45] : memref<1x1024xf32, #tpu.memory_space<vmem>>, vector<1x1024xf32>
      %add3A_47 = vector.broadcast %get3A_46 : vector<1x1024xf32> to vector<256x1024xf32>
      %add3A_48 = arith.addf %dot_general3A_43, %add3A_47 : vector<256x1024xf32>
      %mul3A_49 = vector.broadcast %add3A_36 : vector<256x1xf32> to vector<256x1024xf32>
      %mul3A_50 = arith.mulf %add3A_48, %mul3A_49 : vector<256x1024xf32>
      %mul3A_51 = arith.constant 1.600000e+01 : f32
      %mul3A_52 = vector.broadcast %mul3A_51 : f32 to vector<256x1024xf32>
      %mul3A_53 = arith.mulf %mul3A_50, %mul3A_52 : vector<256x1024xf32>
      %swap3A = arith.constant 0 : index
      %swap3A_54 = arith.constant 0 : index
      %swap3A_55 = vector.load %arg10[%swap3A, %swap3A_54] : memref<256x1024xf32, #tpu.memory_space<vmem>>, vector<256x1024xf32>
      tpu.vector_store %arg10[%swap3A, %swap3A_54], %mul3A_53 {strides = array<i32>} : memref<256x1024xf32, #tpu.memory_space<vmem>>, vector<256x1024xf32>,
      %eq3A_56 = arith.constant 0 : i32
      %eq3A_57 = arith.cmpi eq, %arg0, %eq3A_56 : i32
      %convert_element_type3A_58 = arith.extui %eq3A_57 : i1 to i32
      %cond3A_59 = arith.constant 0 : i32
      %cond3A_60 = arith.cmpi ne, %convert_element_type3A_58, %cond3A_59 : i32
      scf.if %cond3A_60 {
        %get3A_66 = arith.constant 0 : index
        %get3A_67 = arith.constant 0 : index
        %get3A_68 = vector.load %arg14[%get3A_66, %get3A_67] : memref<1x1024xf32, #tpu.memory_space<vmem>>, vector<1x1024xf32>
        %scan3A = arith.constant 0 : i32
        %scan3A_69 = arith.constant 256 : i32
        %scan3A_70 = arith.addi %scan3A, %scan3A_69 : i32
        %scan3A_71 = arith.constant 8 : i32
        %scan3A_72 = scf.for %scan3A_77 = %scan3A to %scan3A_70 step %scan3A_71 iter_args(%scan3A_78 = %get3A_68) -> (vector<1x1024xf32>)  : i32 {
          %mul3A_79 = arith.constant 0.899999976 : f32
          %mul3A_80 = vector.broadcast %mul3A_79 : f32 to vector<1x1024xf32>
          %mul3A_81 = arith.mulf %mul3A_80, %scan3A_78 : vector<1x1024xf32>
          %get3A_82 = arith.index_cast %scan3A_77 : i32 to index
          %get3A_83 = arith.constant 0 : index
          %get3A_84 = vector.load %arg10[%get3A_82, %get3A_83] : memref<256x1024xf32, #tpu.memory_space<vmem>>, vector<1x1024xf32>
          %add3A_85 = arith.addf %mul3A_81, %get3A_84 : vector<1x1024xf32>
          %round3A = math.roundeven %add3A_85 : vector<1x1024xf32>
          %max3A = arith.constant 0.000000e+00 : f32
          %max3A_86 = vector.broadcast %max3A : f32 to vector<1x1024xf32>
          %max3A_87 = arith.maximumf %round3A, %max3A_86 : vector<1x1024xf32>
          %min3A = arith.constant 1.600000e+01 : f32
          %min3A_88 = vector.broadcast %min3A : f32 to vector<1x1024xf32>
          %min3A_89 = arith.minimumf %max3A_87, %min3A_88 : vector<1x1024xf32>
          %swap3A_90 = arith.index_cast %scan3A_77 : i32 to index
          %swap3A_91 = arith.constant 0 : index
          %swap3A_92 = vector.load %arg11[%swap3A_90, %swap3A_91] : memref<256x1024xf32, #tpu.memory_space<vmem>>, vector<1x1024xf32>
          tpu.vector_store %arg11[%swap3A_90, %swap3A_91], %min3A_89 {strides = array<i32>} : memref<256x1024xf32, #tpu.memory_space<vmem>>, vector<1x1024xf32>,
          %sub3A_93 = arith.subf %add3A_85, %min3A_89 : vector<1x1024xf32>
          %scan3A_94 = arith.constant 1 : i32
          %scan3A_95 = arith.addi %scan3A_77, %scan3A_94 : i32
          %mul3A_96 = arith.constant 0.899999976 : f32
          %mul3A_97 = vector.broadcast %mul3A_96 : f32 to vector<1x1024xf32>
          %mul3A_98 = arith.mulf %mul3A_97, %sub3A_93 : vector<1x1024xf32>
          %get3A_99 = arith.index_cast %scan3A_95 : i32 to index
          %get3A_100 = arith.constant 0 : index
          %get3A_101 = vector.load %arg10[%get3A_99, %get3A_100] : memref<256x1024xf32, #tpu.memory_space<vmem>>, vector<1x1024xf32>
          %add3A_102 = arith.addf %mul3A_98, %get3A_101 : vector<1x1024xf32>
          %round3A_103 = math.roundeven %add3A_102 : vector<1x1024xf32>
          %max3A_104 = arith.constant 0.000000e+00 : f32
          %max3A_105 = vector.broadcast %max3A_104 : f32 to vector<1x1024xf32>
          %max3A_106 = arith.maximumf %round3A_103, %max3A_105 : vector<1x1024xf32>
          %min3A_107 = arith.constant 1.600000e+01 : f32
          %min3A_108 = vector.broadcast %min3A_107 : f32 to vector<1x1024xf32>
          %min3A_109 = arith.minimumf %max3A_106, %min3A_108 : vector<1x1024xf32>
          %swap3A_110 = arith.index_cast %scan3A_95 : i32 to index
          %swap3A_111 = arith.constant 0 : index
          %swap3A_112 = vector.load %arg11[%swap3A_110, %swap3A_111] : memref<256x1024xf32, #tpu.memory_space<vmem>>, vector<1x1024xf32>
          tpu.vector_store %arg11[%swap3A_110, %swap3A_111], %min3A_109 {strides = array<i32>} : memref<256x1024xf32, #tpu.memory_space<vmem>>, vector<1x1024xf32>,
          %sub3A_113 = arith.subf %add3A_102, %min3A_109 : vector<1x1024xf32>
          %scan3A_114 = arith.constant 2 : i32
          %scan3A_115 = arith.addi %scan3A_77, %scan3A_114 : i32
          %mul3A_116 = arith.constant 0.899999976 : f32
          %mul3A_117 = vector.broadcast %mul3A_116 : f32 to vector<1x1024xf32>
          %mul3A_118 = arith.mulf %mul3A_117, %sub3A_113 : vector<1x1024xf32>
          %get3A_119 = arith.index_cast %scan3A_115 : i32 to index
          %get3A_120 = arith.constant 0 : index
          %get3A_121 = vector.load %arg10[%get3A_119, %get3A_120] : memref<256x1024xf32, #tpu.memory_space<vmem>>, vector<1x1024xf32>
          %add3A_122 = arith.addf %mul3A_118, %get3A_121 : vector<1x1024xf32>
          %round3A_123 = math.roundeven %add3A_122 : vector<1x1024xf32>
          %max3A_124 = arith.constant 0.000000e+00 : f32
          %max3A_125 = vector.broadcast %max3A_124 : f32 to vector<1x1024xf32>
          %max3A_126 = arith.maximumf %round3A_123, %max3A_125 : vector<1x1024xf32>
          %min3A_127 = arith.constant 1.600000e+01 : f32
          %min3A_128 = vector.broadcast %min3A_127 : f32 to vector<1x1024xf32>
          %min3A_129 = arith.minimumf %max3A_126, %min3A_128 : vector<1x1024xf32>
          %swap3A_130 = arith.index_cast %scan3A_115 : i32 to index
          %swap3A_131 = arith.constant 0 : index
          %swap3A_132 = vector.load %arg11[%swap3A_130, %swap3A_131] : memref<256x1024xf32, #tpu.memory_space<vmem>>, vector<1x1024xf32>
          tpu.vector_store %arg11[%swap3A_130, %swap3A_131], %min3A_129 {strides = array<i32>} : memref<256x1024xf32, #tpu.memory_space<vmem>>, vector<1x1024xf32>,
          %sub3A_133 = arith.subf %add3A_122, %min3A_129 : vector<1x1024xf32>
          %scan3A_134 = arith.constant 3 : i32
          %scan3A_135 = arith.addi %scan3A_77, %scan3A_134 : i32
          %mul3A_136 = arith.constant 0.899999976 : f32
          %mul3A_137 = vector.broadcast %mul3A_136 : f32 to vector<1x1024xf32>
          %mul3A_138 = arith.mulf %mul3A_137, %sub3A_133 : vector<1x1024xf32>
          %get3A_139 = arith.index_cast %scan3A_135 : i32 to index
          %get3A_140 = arith.constant 0 : index
          %get3A_141 = vector.load %arg10[%get3A_139, %get3A_140] : memref<256x1024xf32, #tpu.memory_space<vmem>>, vector<1x1024xf32>
          %add3A_142 = arith.addf %mul3A_138, %get3A_141 : vector<1x1024xf32>
          %round3A_143 = math.roundeven %add3A_142 : vector<1x1024xf32>
          %max3A_144 = arith.constant 0.000000e+00 : f32
          %max3A_145 = vector.broadcast %max3A_144 : f32 to vector<1x1024xf32>
          %max3A_146 = arith.maximumf %round3A_143, %max3A_145 : vector<1x1024xf32>
          %min3A_147 = arith.constant 1.600000e+01 : f32
          %min3A_148 = vector.broadcast %min3A_147 : f32 to vector<1x1024xf32>
          %min3A_149 = arith.minimumf %max3A_146, %min3A_148 : vector<1x1024xf32>
          %swap3A_150 = arith.index_cast %scan3A_135 : i32 to index
          %swap3A_151 = arith.constant 0 : index
          %swap3A_152 = vector.load %arg11[%swap3A_150, %swap3A_151] : memref<256x1024xf32, #tpu.memory_space<vmem>>, vector<1x1024xf32>
          tpu.vector_store %arg11[%swap3A_150, %swap3A_151], %min3A_149 {strides = array<i32>} : memref<256x1024xf32, #tpu.memory_space<vmem>>, vector<1x1024xf32>,
          %sub3A_153 = arith.subf %add3A_142, %min3A_149 : vector<1x1024xf32>
          %scan3A_154 = arith.constant 4 : i32
          %scan3A_155 = arith.addi %scan3A_77, %scan3A_154 : i32
          %mul3A_156 = arith.constant 0.899999976 : f32
          %mul3A_157 = vector.broadcast %mul3A_156 : f32 to vector<1x1024xf32>
          %mul3A_158 = arith.mulf %mul3A_157, %sub3A_153 : vector<1x1024xf32>
          %get3A_159 = arith.index_cast %scan3A_155 : i32 to index
          %get3A_160 = arith.constant 0 : index
          %get3A_161 = vector.load %arg10[%get3A_159, %get3A_160] : memref<256x1024xf32, #tpu.memory_space<vmem>>, vector<1x1024xf32>
          %add3A_162 = arith.addf %mul3A_158, %get3A_161 : vector<1x1024xf32>
          %round3A_163 = math.roundeven %add3A_162 : vector<1x1024xf32>
          %max3A_164 = arith.constant 0.000000e+00 : f32
          %max3A_165 = vector.broadcast %max3A_164 : f32 to vector<1x1024xf32>
          %max3A_166 = arith.maximumf %round3A_163, %max3A_165 : vector<1x1024xf32>
          %min3A_167 = arith.constant 1.600000e+01 : f32
          %min3A_168 = vector.broadcast %min3A_167 : f32 to vector<1x1024xf32>
          %min3A_169 = arith.minimumf %max3A_166, %min3A_168 : vector<1x1024xf32>
          %swap3A_170 = arith.index_cast %scan3A_155 : i32 to index
          %swap3A_171 = arith.constant 0 : index
          %swap3A_172 = vector.load %arg11[%swap3A_170, %swap3A_171] : memref<256x1024xf32, #tpu.memory_space<vmem>>, vector<1x1024xf32>
          tpu.vector_store %arg11[%swap3A_170, %swap3A_171], %min3A_169 {strides = array<i32>} : memref<256x1024xf32, #tpu.memory_space<vmem>>, vector<1x1024xf32>,
          %sub3A_173 = arith.subf %add3A_162, %min3A_169 : vector<1x1024xf32>
          %scan3A_174 = arith.constant 5 : i32
          %scan3A_175 = arith.addi %scan3A_77, %scan3A_174 : i32
          %mul3A_176 = arith.constant 0.899999976 : f32
          %mul3A_177 = vector.broadcast %mul3A_176 : f32 to vector<1x1024xf32>
          %mul3A_178 = arith.mulf %mul3A_177, %sub3A_173 : vector<1x1024xf32>
          %get3A_179 = arith.index_cast %scan3A_175 : i32 to index
          %get3A_180 = arith.constant 0 : index
          %get3A_181 = vector.load %arg10[%get3A_179, %get3A_180] : memref<256x1024xf32, #tpu.memory_space<vmem>>, vector<1x1024xf32>
          %add3A_182 = arith.addf %mul3A_178, %get3A_181 : vector<1x1024xf32>
          %round3A_183 = math.roundeven %add3A_182 : vector<1x1024xf32>
          %max3A_184 = arith.constant 0.000000e+00 : f32
          %max3A_185 = vector.broadcast %max3A_184 : f32 to vector<1x1024xf32>
          %max3A_186 = arith.maximumf %round3A_183, %max3A_185 : vector<1x1024xf32>
          %min3A_187 = arith.constant 1.600000e+01 : f32
          %min3A_188 = vector.broadcast %min3A_187 : f32 to vector<1x1024xf32>
          %min3A_189 = arith.minimumf %max3A_186, %min3A_188 : vector<1x1024xf32>
          %swap3A_190 = arith.index_cast %scan3A_175 : i32 to index
          %swap3A_191 = arith.constant 0 : index
          %swap3A_192 = vector.load %arg11[%swap3A_190, %swap3A_191] : memref<256x1024xf32, #tpu.memory_space<vmem>>, vector<1x1024xf32>
          tpu.vector_store %arg11[%swap3A_190, %swap3A_191], %min3A_189 {strides = array<i32>} : memref<256x1024xf32, #tpu.memory_space<vmem>>, vector<1x1024xf32>,
          %sub3A_193 = arith.subf %add3A_182, %min3A_189 : vector<1x1024xf32>
          %scan3A_194 = arith.constant 6 : i32
          %scan3A_195 = arith.addi %scan3A_77, %scan3A_194 : i32
          %mul3A_196 = arith.constant 0.899999976 : f32
          %mul3A_197 = vector.broadcast %mul3A_196 : f32 to vector<1x1024xf32>
          %mul3A_198 = arith.mulf %mul3A_197, %sub3A_193 : vector<1x1024xf32>
          %get3A_199 = arith.index_cast %scan3A_195 : i32 to index
          %get3A_200 = arith.constant 0 : index
          %get3A_201 = vector.load %arg10[%get3A_199, %get3A_200] : memref<256x1024xf32, #tpu.memory_space<vmem>>, vector<1x1024xf32>
          %add3A_202 = arith.addf %mul3A_198, %get3A_201 : vector<1x1024xf32>
          %round3A_203 = math.roundeven %add3A_202 : vector<1x1024xf32>
          %max3A_204 = arith.constant 0.000000e+00 : f32
          %max3A_205 = vector.broadcast %max3A_204 : f32 to vector<1x1024xf32>
          %max3A_206 = arith.maximumf %round3A_203, %max3A_205 : vector<1x1024xf32>
          %min3A_207 = arith.constant 1.600000e+01 : f32
          %min3A_208 = vector.broadcast %min3A_207 : f32 to vector<1x1024xf32>
          %min3A_209 = arith.minimumf %max3A_206, %min3A_208 : vector<1x1024xf32>
          %swap3A_210 = arith.index_cast %scan3A_195 : i32 to index
          %swap3A_211 = arith.constant 0 : index
          %swap3A_212 = vector.load %arg11[%swap3A_210, %swap3A_211] : memref<256x1024xf32, #tpu.memory_space<vmem>>, vector<1x1024xf32>
          tpu.vector_store %arg11[%swap3A_210, %swap3A_211], %min3A_209 {strides = array<i32>} : memref<256x1024xf32, #tpu.memory_space<vmem>>, vector<1x1024xf32>,
          %sub3A_213 = arith.subf %add3A_202, %min3A_209 : vector<1x1024xf32>
          %scan3A_214 = arith.constant 7 : i32
          %scan3A_215 = arith.addi %scan3A_77, %scan3A_214 : i32
          %mul3A_216 = arith.constant 0.899999976 : f32
          %mul3A_217 = vector.broadcast %mul3A_216 : f32 to vector<1x1024xf32>
          %mul3A_218 = arith.mulf %mul3A_217, %sub3A_213 : vector<1x1024xf32>
          %get3A_219 = arith.index_cast %scan3A_215 : i32 to index
          %get3A_220 = arith.constant 0 : index
          %get3A_221 = vector.load %arg10[%get3A_219, %get3A_220] : memref<256x1024xf32, #tpu.memory_space<vmem>>, vector<1x1024xf32>
          %add3A_222 = arith.addf %mul3A_218, %get3A_221 : vector<1x1024xf32>
          %round3A_223 = math.roundeven %add3A_222 : vector<1x1024xf32>
          %max3A_224 = arith.constant 0.000000e+00 : f32
          %max3A_225 = vector.broadcast %max3A_224 : f32 to vector<1x1024xf32>
          %max3A_226 = arith.maximumf %round3A_223, %max3A_225 : vector<1x1024xf32>
          %min3A_227 = arith.constant 1.600000e+01 : f32
          %min3A_228 = vector.broadcast %min3A_227 : f32 to vector<1x1024xf32>
          %min3A_229 = arith.minimumf %max3A_226, %min3A_228 : vector<1x1024xf32>
          %swap3A_230 = arith.index_cast %scan3A_215 : i32 to index
          %swap3A_231 = arith.constant 0 : index
          %swap3A_232 = vector.load %arg11[%swap3A_230, %swap3A_231] : memref<256x1024xf32, #tpu.memory_space<vmem>>, vector<1x1024xf32>
          tpu.vector_store %arg11[%swap3A_230, %swap3A_231], %min3A_229 {strides = array<i32>} : memref<256x1024xf32, #tpu.memory_space<vmem>>, vector<1x1024xf32>,
          %sub3A_233 = arith.subf %add3A_222, %min3A_229 : vector<1x1024xf32>
          scf.yield %sub3A_233 : vector<1x1024xf32>
        }
        %scan3A_73 = arith.constant 256 : i32
        %swap3A_74 = arith.constant 0 : index
        %swap3A_75 = arith.constant 0 : index
        %swap3A_76 = vector.load %arg14[%swap3A_74, %swap3A_75] : memref<1x1024xf32, #tpu.memory_space<vmem>>, vector<1x1024xf32>
        tpu.vector_store %arg14[%swap3A_74, %swap3A_75], %scan3A_72 {strides = array<i32>} : memref<1x1024xf32, #tpu.memory_space<vmem>>, vector<1x1024xf32>,
      } else {
      }
      %gt3A_61 = arith.constant 0 : i32
      %gt3A_62 = arith.cmpi sgt, %arg0, %gt3A_61 : i32
      %convert_element_type3A_63 = arith.extui %gt3A_62 : i1 to i32
      %cond3A_64 = arith.constant 0 : i32
      %cond3A_65 = arith.cmpi ne, %convert_element_type3A_63, %cond3A_64 : i32
      scf.if %cond3A_65 {
        %get3A_66 = arith.constant 0 : index
        %get3A_67 = arith.constant 0 : index
        %get3A_68 = vector.load %arg14[%get3A_66, %get3A_67] : memref<1x1024xf32, #tpu.memory_space<vmem>>, vector<1x1024xf32>
        %get3A_69 = arith.constant 0 : index
        %get3A_70 = arith.constant 0 : index
        %get3A_71 = vector.load %arg15[%get3A_69, %get3A_70] : memref<1x768xf32, #tpu.memory_space<vmem>>, vector<1x768xf32>
        %scan3A = arith.constant 0 : i32
        %scan3A_72 = arith.constant 256 : i32
        %scan3A_73 = arith.addi %scan3A, %scan3A_72 : i32
        %scan3A_74 = arith.constant 8 : i32
        %scan3A_75:2 = scf.for %scan3A_83 = %scan3A to %scan3A_73 step %scan3A_74 iter_args(%scan3A_84 = %get3A_68, %scan3A_85 = %get3A_71) -> (vector<1x1024xf32>, vector<1x768xf32>)  : i32 {
          %mul3A_86 = arith.constant 0.899999976 : f32
          %mul3A_87 = vector.broadcast %mul3A_86 : f32 to vector<1x1024xf32>
          %mul3A_88 = arith.mulf %mul3A_87, %scan3A_84 : vector<1x1024xf32>
          %get3A_89 = arith.index_cast %scan3A_83 : i32 to index
          %get3A_90 = arith.constant 0 : index
          %get3A_91 = vector.load %arg10[%get3A_89, %get3A_90] : memref<256x1024xf32, #tpu.memory_space<vmem>>, vector<1x1024xf32>
          %add3A_92 = arith.addf %mul3A_88, %get3A_91 : vector<1x1024xf32>
          %round3A = math.roundeven %add3A_92 : vector<1x1024xf32>
          %max3A = arith.constant 0.000000e+00 : f32
          %max3A_93 = vector.broadcast %max3A : f32 to vector<1x1024xf32>
          %max3A_94 = arith.maximumf %round3A, %max3A_93 : vector<1x1024xf32>
          %min3A = arith.constant 1.600000e+01 : f32
          %min3A_95 = vector.broadcast %min3A : f32 to vector<1x1024xf32>
          %min3A_96 = arith.minimumf %max3A_94, %min3A_95 : vector<1x1024xf32>
          %swap3A_97 = arith.index_cast %scan3A_83 : i32 to index
          %swap3A_98 = arith.constant 0 : index
          %swap3A_99 = vector.load %arg11[%swap3A_97, %swap3A_98] : memref<256x1024xf32, #tpu.memory_space<vmem>>, vector<1x1024xf32>
          tpu.vector_store %arg11[%swap3A_97, %swap3A_98], %min3A_96 {strides = array<i32>} : memref<256x1024xf32, #tpu.memory_space<vmem>>, vector<1x1024xf32>,
          %sub3A_100 = arith.subf %add3A_92, %min3A_96 : vector<1x1024xf32>
          %mul3A_101 = arith.constant 0.899999976 : f32
          %mul3A_102 = vector.broadcast %mul3A_101 : f32 to vector<1x768xf32>
          %mul3A_103 = arith.mulf %mul3A_102, %scan3A_85 : vector<1x768xf32>
          %get3A_104 = arith.index_cast %scan3A_83 : i32 to index
          %get3A_105 = arith.constant 0 : index
          %get3A_106 = vector.load %arg12[%get3A_104, %get3A_105] : memref<256x768xf32, #tpu.memory_space<vmem>>, vector<1x768xf32>
          %add3A_107 = arith.addf %mul3A_103, %get3A_106 : vector<1x768xf32>
          %round3A_108 = math.roundeven %add3A_107 : vector<1x768xf32>
          %max3A_109 = arith.constant 0.000000e+00 : f32
          %max3A_110 = vector.broadcast %max3A_109 : f32 to vector<1x768xf32>
          %max3A_111 = arith.maximumf %round3A_108, %max3A_110 : vector<1x768xf32>
          %min3A_112 = arith.constant 1.600000e+01 : f32
          %min3A_113 = vector.broadcast %min3A_112 : f32 to vector<1x768xf32>
          %min3A_114 = arith.minimumf %max3A_111, %min3A_113 : vector<1x768xf32>
          %swap3A_115 = arith.index_cast %scan3A_83 : i32 to index
          %swap3A_116 = arith.constant 0 : index
          %swap3A_117 = vector.load %arg13[%swap3A_115, %swap3A_116] : memref<256x768xf32, #tpu.memory_space<vmem>>, vector<1x768xf32>
          tpu.vector_store %arg13[%swap3A_115, %swap3A_116], %min3A_114 {strides = array<i32>} : memref<256x768xf32, #tpu.memory_space<vmem>>, vector<1x768xf32>,
          %sub3A_118 = arith.subf %add3A_107, %min3A_114 : vector<1x768xf32>
          %scan3A_119 = arith.constant 1 : i32
          %scan3A_120 = arith.addi %scan3A_83, %scan3A_119 : i32
          %mul3A_121 = arith.constant 0.899999976 : f32
          %mul3A_122 = vector.broadcast %mul3A_121 : f32 to vector<1x1024xf32>
          %mul3A_123 = arith.mulf %mul3A_122, %sub3A_100 : vector<1x1024xf32>
          %get3A_124 = arith.index_cast %scan3A_120 : i32 to index
          %get3A_125 = arith.constant 0 : index
          %get3A_126 = vector.load %arg10[%get3A_124, %get3A_125] : memref<256x1024xf32, #tpu.memory_space<vmem>>, vector<1x1024xf32>
          %add3A_127 = arith.addf %mul3A_123, %get3A_126 : vector<1x1024xf32>
          %round3A_128 = math.roundeven %add3A_127 : vector<1x1024xf32>
          %max3A_129 = arith.constant 0.000000e+00 : f32
          %max3A_130 = vector.broadcast %max3A_129 : f32 to vector<1x1024xf32>
          %max3A_131 = arith.maximumf %round3A_128, %max3A_130 : vector<1x1024xf32>
          %min3A_132 = arith.constant 1.600000e+01 : f32
          %min3A_133 = vector.broadcast %min3A_132 : f32 to vector<1x1024xf32>
          %min3A_134 = arith.minimumf %max3A_131, %min3A_133 : vector<1x1024xf32>
          %swap3A_135 = arith.index_cast %scan3A_120 : i32 to index
          %swap3A_136 = arith.constant 0 : index
          %swap3A_137 = vector.load %arg11[%swap3A_135, %swap3A_136] : memref<256x1024xf32, #tpu.memory_space<vmem>>, vector<1x1024xf32>
          tpu.vector_store %arg11[%swap3A_135, %swap3A_136], %min3A_134 {strides = array<i32>} : memref<256x1024xf32, #tpu.memory_space<vmem>>, vector<1x1024xf32>,
          %sub3A_138 = arith.subf %add3A_127, %min3A_134 : vector<1x1024xf32>
          %mul3A_139 = arith.constant 0.899999976 : f32
          %mul3A_140 = vector.broadcast %mul3A_139 : f32 to vector<1x768xf32>
          %mul3A_141 = arith.mulf %mul3A_140, %sub3A_118 : vector<1x768xf32>
          %get3A_142 = arith.index_cast %scan3A_120 : i32 to index
          %get3A_143 = arith.constant 0 : index
          %get3A_144 = vector.load %arg12[%get3A_142, %get3A_143] : memref<256x768xf32, #tpu.memory_space<vmem>>, vector<1x768xf32>
          %add3A_145 = arith.addf %mul3A_141, %get3A_144 : vector<1x768xf32>
          %round3A_146 = math.roundeven %add3A_145 : vector<1x768xf32>
          %max3A_147 = arith.constant 0.000000e+00 : f32
          %max3A_148 = vector.broadcast %max3A_147 : f32 to vector<1x768xf32>
          %max3A_149 = arith.maximumf %round3A_146, %max3A_148 : vector<1x768xf32>
          %min3A_150 = arith.constant 1.600000e+01 : f32
          %min3A_151 = vector.broadcast %min3A_150 : f32 to vector<1x768xf32>
          %min3A_152 = arith.minimumf %max3A_149, %min3A_151 : vector<1x768xf32>
          %swap3A_153 = arith.index_cast %scan3A_120 : i32 to index
          %swap3A_154 = arith.constant 0 : index
          %swap3A_155 = vector.load %arg13[%swap3A_153, %swap3A_154] : memref<256x768xf32, #tpu.memory_space<vmem>>, vector<1x768xf32>
          tpu.vector_store %arg13[%swap3A_153, %swap3A_154], %min3A_152 {strides = array<i32>} : memref<256x768xf32, #tpu.memory_space<vmem>>, vector<1x768xf32>,
          %sub3A_156 = arith.subf %add3A_145, %min3A_152 : vector<1x768xf32>
          %scan3A_157 = arith.constant 2 : i32
          %scan3A_158 = arith.addi %scan3A_83, %scan3A_157 : i32
          %mul3A_159 = arith.constant 0.899999976 : f32
          %mul3A_160 = vector.broadcast %mul3A_159 : f32 to vector<1x1024xf32>
          %mul3A_161 = arith.mulf %mul3A_160, %sub3A_138 : vector<1x1024xf32>
          %get3A_162 = arith.index_cast %scan3A_158 : i32 to index
          %get3A_163 = arith.constant 0 : index
          %get3A_164 = vector.load %arg10[%get3A_162, %get3A_163] : memref<256x1024xf32, #tpu.memory_space<vmem>>, vector<1x1024xf32>
          %add3A_165 = arith.addf %mul3A_161, %get3A_164 : vector<1x1024xf32>
          %round3A_166 = math.roundeven %add3A_165 : vector<1x1024xf32>
          %max3A_167 = arith.constant 0.000000e+00 : f32
          %max3A_168 = vector.broadcast %max3A_167 : f32 to vector<1x1024xf32>
          %max3A_169 = arith.maximumf %round3A_166, %max3A_168 : vector<1x1024xf32>
          %min3A_170 = arith.constant 1.600000e+01 : f32
          %min3A_171 = vector.broadcast %min3A_170 : f32 to vector<1x1024xf32>
          %min3A_172 = arith.minimumf %max3A_169, %min3A_171 : vector<1x1024xf32>
          %swap3A_173 = arith.index_cast %scan3A_158 : i32 to index
          %swap3A_174 = arith.constant 0 : index
          %swap3A_175 = vector.load %arg11[%swap3A_173, %swap3A_174] : memref<256x1024xf32, #tpu.memory_space<vmem>>, vector<1x1024xf32>
          tpu.vector_store %arg11[%swap3A_173, %swap3A_174], %min3A_172 {strides = array<i32>} : memref<256x1024xf32, #tpu.memory_space<vmem>>, vector<1x1024xf32>,
          %sub3A_176 = arith.subf %add3A_165, %min3A_172 : vector<1x1024xf32>
          %mul3A_177 = arith.constant 0.899999976 : f32
          %mul3A_178 = vector.broadcast %mul3A_177 : f32 to vector<1x768xf32>
          %mul3A_179 = arith.mulf %mul3A_178, %sub3A_156 : vector<1x768xf32>
          %get3A_180 = arith.index_cast %scan3A_158 : i32 to index
          %get3A_181 = arith.constant 0 : index
          %get3A_182 = vector.load %arg12[%get3A_180, %get3A_181] : memref<256x768xf32, #tpu.memory_space<vmem>>, vector<1x768xf32>
          %add3A_183 = arith.addf %mul3A_179, %get3A_182 : vector<1x768xf32>
          %round3A_184 = math.roundeven %add3A_183 : vector<1x768xf32>
          %max3A_185 = arith.constant 0.000000e+00 : f32
          %max3A_186 = vector.broadcast %max3A_185 : f32 to vector<1x768xf32>
          %max3A_187 = arith.maximumf %round3A_184, %max3A_186 : vector<1x768xf32>
          %min3A_188 = arith.constant 1.600000e+01 : f32
          %min3A_189 = vector.broadcast %min3A_188 : f32 to vector<1x768xf32>
          %min3A_190 = arith.minimumf %max3A_187, %min3A_189 : vector<1x768xf32>
          %swap3A_191 = arith.index_cast %scan3A_158 : i32 to index
          %swap3A_192 = arith.constant 0 : index
          %swap3A_193 = vector.load %arg13[%swap3A_191, %swap3A_192] : memref<256x768xf32, #tpu.memory_space<vmem>>, vector<1x768xf32>
          tpu.vector_store %arg13[%swap3A_191, %swap3A_192], %min3A_190 {strides = array<i32>} : memref<256x768xf32, #tpu.memory_space<vmem>>, vector<1x768xf32>,
          %sub3A_194 = arith.subf %add3A_183, %min3A_190 : vector<1x768xf32>
          %scan3A_195 = arith.constant 3 : i32
          %scan3A_196 = arith.addi %scan3A_83, %scan3A_195 : i32
          %mul3A_197 = arith.constant 0.899999976 : f32
          %mul3A_198 = vector.broadcast %mul3A_197 : f32 to vector<1x1024xf32>
          %mul3A_199 = arith.mulf %mul3A_198, %sub3A_176 : vector<1x1024xf32>
          %get3A_200 = arith.index_cast %scan3A_196 : i32 to index
          %get3A_201 = arith.constant 0 : index
          %get3A_202 = vector.load %arg10[%get3A_200, %get3A_201] : memref<256x1024xf32, #tpu.memory_space<vmem>>, vector<1x1024xf32>
          %add3A_203 = arith.addf %mul3A_199, %get3A_202 : vector<1x1024xf32>
          %round3A_204 = math.roundeven %add3A_203 : vector<1x1024xf32>
          %max3A_205 = arith.constant 0.000000e+00 : f32
          %max3A_206 = vector.broadcast %max3A_205 : f32 to vector<1x1024xf32>
          %max3A_207 = arith.maximumf %round3A_204, %max3A_206 : vector<1x1024xf32>
          %min3A_208 = arith.constant 1.600000e+01 : f32
          %min3A_209 = vector.broadcast %min3A_208 : f32 to vector<1x1024xf32>
          %min3A_210 = arith.minimumf %max3A_207, %min3A_209 : vector<1x1024xf32>
          %swap3A_211 = arith.index_cast %scan3A_196 : i32 to index
          %swap3A_212 = arith.constant 0 : index
          %swap3A_213 = vector.load %arg11[%swap3A_211, %swap3A_212] : memref<256x1024xf32, #tpu.memory_space<vmem>>, vector<1x1024xf32>
          tpu.vector_store %arg11[%swap3A_211, %swap3A_212], %min3A_210 {strides = array<i32>} : memref<256x1024xf32, #tpu.memory_space<vmem>>, vector<1x1024xf32>,
          %sub3A_214 = arith.subf %add3A_203, %min3A_210 : vector<1x1024xf32>
          %mul3A_215 = arith.constant 0.899999976 : f32
          %mul3A_216 = vector.broadcast %mul3A_215 : f32 to vector<1x768xf32>
          %mul3A_217 = arith.mulf %mul3A_216, %sub3A_194 : vector<1x768xf32>
          %get3A_218 = arith.index_cast %scan3A_196 : i32 to index
          %get3A_219 = arith.constant 0 : index
          %get3A_220 = vector.load %arg12[%get3A_218, %get3A_219] : memref<256x768xf32, #tpu.memory_space<vmem>>, vector<1x768xf32>
          %add3A_221 = arith.addf %mul3A_217, %get3A_220 : vector<1x768xf32>
          %round3A_222 = math.roundeven %add3A_221 : vector<1x768xf32>
          %max3A_223 = arith.constant 0.000000e+00 : f32
          %max3A_224 = vector.broadcast %max3A_223 : f32 to vector<1x768xf32>
          %max3A_225 = arith.maximumf %round3A_222, %max3A_224 : vector<1x768xf32>
          %min3A_226 = arith.constant 1.600000e+01 : f32
          %min3A_227 = vector.broadcast %min3A_226 : f32 to vector<1x768xf32>
          %min3A_228 = arith.minimumf %max3A_225, %min3A_227 : vector<1x768xf32>
          %swap3A_229 = arith.index_cast %scan3A_196 : i32 to index
          %swap3A_230 = arith.constant 0 : index
          %swap3A_231 = vector.load %arg13[%swap3A_229, %swap3A_230] : memref<256x768xf32, #tpu.memory_space<vmem>>, vector<1x768xf32>
          tpu.vector_store %arg13[%swap3A_229, %swap3A_230], %min3A_228 {strides = array<i32>} : memref<256x768xf32, #tpu.memory_space<vmem>>, vector<1x768xf32>,
          %sub3A_232 = arith.subf %add3A_221, %min3A_228 : vector<1x768xf32>
          %scan3A_233 = arith.constant 4 : i32
          %scan3A_234 = arith.addi %scan3A_83, %scan3A_233 : i32
          %mul3A_235 = arith.constant 0.899999976 : f32
          %mul3A_236 = vector.broadcast %mul3A_235 : f32 to vector<1x1024xf32>
          %mul3A_237 = arith.mulf %mul3A_236, %sub3A_214 : vector<1x1024xf32>
          %get3A_238 = arith.index_cast %scan3A_234 : i32 to index
          %get3A_239 = arith.constant 0 : index
          %get3A_240 = vector.load %arg10[%get3A_238, %get3A_239] : memref<256x1024xf32, #tpu.memory_space<vmem>>, vector<1x1024xf32>
          %add3A_241 = arith.addf %mul3A_237, %get3A_240 : vector<1x1024xf32>
          %round3A_242 = math.roundeven %add3A_241 : vector<1x1024xf32>
          %max3A_243 = arith.constant 0.000000e+00 : f32
          %max3A_244 = vector.broadcast %max3A_243 : f32 to vector<1x1024xf32>
          %max3A_245 = arith.maximumf %round3A_242, %max3A_244 : vector<1x1024xf32>
          %min3A_246 = arith.constant 1.600000e+01 : f32
          %min3A_247 = vector.broadcast %min3A_246 : f32 to vector<1x1024xf32>
          %min3A_248 = arith.minimumf %max3A_245, %min3A_247 : vector<1x1024xf32>
          %swap3A_249 = arith.index_cast %scan3A_234 : i32 to index
          %swap3A_250 = arith.constant 0 : index
          %swap3A_251 = vector.load %arg11[%swap3A_249, %swap3A_250] : memref<256x1024xf32, #tpu.memory_space<vmem>>, vector<1x1024xf32>
          tpu.vector_store %arg11[%swap3A_249, %swap3A_250], %min3A_248 {strides = array<i32>} : memref<256x1024xf32, #tpu.memory_space<vmem>>, vector<1x1024xf32>,
          %sub3A_252 = arith.subf %add3A_241, %min3A_248 : vector<1x1024xf32>
          %mul3A_253 = arith.constant 0.899999976 : f32
          %mul3A_254 = vector.broadcast %mul3A_253 : f32 to vector<1x768xf32>
          %mul3A_255 = arith.mulf %mul3A_254, %sub3A_232 : vector<1x768xf32>
          %get3A_256 = arith.index_cast %scan3A_234 : i32 to index
          %get3A_257 = arith.constant 0 : index
          %get3A_258 = vector.load %arg12[%get3A_256, %get3A_257] : memref<256x768xf32, #tpu.memory_space<vmem>>, vector<1x768xf32>
          %add3A_259 = arith.addf %mul3A_255, %get3A_258 : vector<1x768xf32>
          %round3A_260 = math.roundeven %add3A_259 : vector<1x768xf32>
          %max3A_261 = arith.constant 0.000000e+00 : f32
          %max3A_262 = vector.broadcast %max3A_261 : f32 to vector<1x768xf32>
          %max3A_263 = arith.maximumf %round3A_260, %max3A_262 : vector<1x768xf32>
          %min3A_264 = arith.constant 1.600000e+01 : f32
          %min3A_265 = vector.broadcast %min3A_264 : f32 to vector<1x768xf32>
          %min3A_266 = arith.minimumf %max3A_263, %min3A_265 : vector<1x768xf32>
          %swap3A_267 = arith.index_cast %scan3A_234 : i32 to index
          %swap3A_268 = arith.constant 0 : index
          %swap3A_269 = vector.load %arg13[%swap3A_267, %swap3A_268] : memref<256x768xf32, #tpu.memory_space<vmem>>, vector<1x768xf32>
          tpu.vector_store %arg13[%swap3A_267, %swap3A_268], %min3A_266 {strides = array<i32>} : memref<256x768xf32, #tpu.memory_space<vmem>>, vector<1x768xf32>,
          %sub3A_270 = arith.subf %add3A_259, %min3A_266 : vector<1x768xf32>
          %scan3A_271 = arith.constant 5 : i32
          %scan3A_272 = arith.addi %scan3A_83, %scan3A_271 : i32
          %mul3A_273 = arith.constant 0.899999976 : f32
          %mul3A_274 = vector.broadcast %mul3A_273 : f32 to vector<1x1024xf32>
          %mul3A_275 = arith.mulf %mul3A_274, %sub3A_252 : vector<1x1024xf32>
          %get3A_276 = arith.index_cast %scan3A_272 : i32 to index
          %get3A_277 = arith.constant 0 : index
          %get3A_278 = vector.load %arg10[%get3A_276, %get3A_277] : memref<256x1024xf32, #tpu.memory_space<vmem>>, vector<1x1024xf32>
          %add3A_279 = arith.addf %mul3A_275, %get3A_278 : vector<1x1024xf32>
          %round3A_280 = math.roundeven %add3A_279 : vector<1x1024xf32>
          %max3A_281 = arith.constant 0.000000e+00 : f32
          %max3A_282 = vector.broadcast %max3A_281 : f32 to vector<1x1024xf32>
          %max3A_283 = arith.maximumf %round3A_280, %max3A_282 : vector<1x1024xf32>
          %min3A_284 = arith.constant 1.600000e+01 : f32
          %min3A_285 = vector.broadcast %min3A_284 : f32 to vector<1x1024xf32>
          %min3A_286 = arith.minimumf %max3A_283, %min3A_285 : vector<1x1024xf32>
          %swap3A_287 = arith.index_cast %scan3A_272 : i32 to index
          %swap3A_288 = arith.constant 0 : index
          %swap3A_289 = vector.load %arg11[%swap3A_287, %swap3A_288] : memref<256x1024xf32, #tpu.memory_space<vmem>>, vector<1x1024xf32>
          tpu.vector_store %arg11[%swap3A_287, %swap3A_288], %min3A_286 {strides = array<i32>} : memref<256x1024xf32, #tpu.memory_space<vmem>>, vector<1x1024xf32>,
          %sub3A_290 = arith.subf %add3A_279, %min3A_286 : vector<1x1024xf32>
          %mul3A_291 = arith.constant 0.899999976 : f32
          %mul3A_292 = vector.broadcast %mul3A_291 : f32 to vector<1x768xf32>
          %mul3A_293 = arith.mulf %mul3A_292, %sub3A_270 : vector<1x768xf32>
          %get3A_294 = arith.index_cast %scan3A_272 : i32 to index
          %get3A_295 = arith.constant 0 : index
          %get3A_296 = vector.load %arg12[%get3A_294, %get3A_295] : memref<256x768xf32, #tpu.memory_space<vmem>>, vector<1x768xf32>
          %add3A_297 = arith.addf %mul3A_293, %get3A_296 : vector<1x768xf32>
          %round3A_298 = math.roundeven %add3A_297 : vector<1x768xf32>
          %max3A_299 = arith.constant 0.000000e+00 : f32
          %max3A_300 = vector.broadcast %max3A_299 : f32 to vector<1x768xf32>
          %max3A_301 = arith.maximumf %round3A_298, %max3A_300 : vector<1x768xf32>
          %min3A_302 = arith.constant 1.600000e+01 : f32
          %min3A_303 = vector.broadcast %min3A_302 : f32 to vector<1x768xf32>
          %min3A_304 = arith.minimumf %max3A_301, %min3A_303 : vector<1x768xf32>
          %swap3A_305 = arith.index_cast %scan3A_272 : i32 to index
          %swap3A_306 = arith.constant 0 : index
          %swap3A_307 = vector.load %arg13[%swap3A_305, %swap3A_306] : memref<256x768xf32, #tpu.memory_space<vmem>>, vector<1x768xf32>
          tpu.vector_store %arg13[%swap3A_305, %swap3A_306], %min3A_304 {strides = array<i32>} : memref<256x768xf32, #tpu.memory_space<vmem>>, vector<1x768xf32>,
          %sub3A_308 = arith.subf %add3A_297, %min3A_304 : vector<1x768xf32>
          %scan3A_309 = arith.constant 6 : i32
          %scan3A_310 = arith.addi %scan3A_83, %scan3A_309 : i32
          %mul3A_311 = arith.constant 0.899999976 : f32
          %mul3A_312 = vector.broadcast %mul3A_311 : f32 to vector<1x1024xf32>
          %mul3A_313 = arith.mulf %mul3A_312, %sub3A_290 : vector<1x1024xf32>
          %get3A_314 = arith.index_cast %scan3A_310 : i32 to index
          %get3A_315 = arith.constant 0 : index
          %get3A_316 = vector.load %arg10[%get3A_314, %get3A_315] : memref<256x1024xf32, #tpu.memory_space<vmem>>, vector<1x1024xf32>
          %add3A_317 = arith.addf %mul3A_313, %get3A_316 : vector<1x1024xf32>
          %round3A_318 = math.roundeven %add3A_317 : vector<1x1024xf32>
          %max3A_319 = arith.constant 0.000000e+00 : f32
          %max3A_320 = vector.broadcast %max3A_319 : f32 to vector<1x1024xf32>
          %max3A_321 = arith.maximumf %round3A_318, %max3A_320 : vector<1x1024xf32>
          %min3A_322 = arith.constant 1.600000e+01 : f32
          %min3A_323 = vector.broadcast %min3A_322 : f32 to vector<1x1024xf32>
          %min3A_324 = arith.minimumf %max3A_321, %min3A_323 : vector<1x1024xf32>
          %swap3A_325 = arith.index_cast %scan3A_310 : i32 to index
          %swap3A_326 = arith.constant 0 : index
          %swap3A_327 = vector.load %arg11[%swap3A_325, %swap3A_326] : memref<256x1024xf32, #tpu.memory_space<vmem>>, vector<1x1024xf32>
          tpu.vector_store %arg11[%swap3A_325, %swap3A_326], %min3A_324 {strides = array<i32>} : memref<256x1024xf32, #tpu.memory_space<vmem>>, vector<1x1024xf32>,
          %sub3A_328 = arith.subf %add3A_317, %min3A_324 : vector<1x1024xf32>
          %mul3A_329 = arith.constant 0.899999976 : f32
          %mul3A_330 = vector.broadcast %mul3A_329 : f32 to vector<1x768xf32>
          %mul3A_331 = arith.mulf %mul3A_330, %sub3A_308 : vector<1x768xf32>
          %get3A_332 = arith.index_cast %scan3A_310 : i32 to index
          %get3A_333 = arith.constant 0 : index
          %get3A_334 = vector.load %arg12[%get3A_332, %get3A_333] : memref<256x768xf32, #tpu.memory_space<vmem>>, vector<1x768xf32>
          %add3A_335 = arith.addf %mul3A_331, %get3A_334 : vector<1x768xf32>
          %round3A_336 = math.roundeven %add3A_335 : vector<1x768xf32>
          %max3A_337 = arith.constant 0.000000e+00 : f32
          %max3A_338 = vector.broadcast %max3A_337 : f32 to vector<1x768xf32>
          %max3A_339 = arith.maximumf %round3A_336, %max3A_338 : vector<1x768xf32>
          %min3A_340 = arith.constant 1.600000e+01 : f32
          %min3A_341 = vector.broadcast %min3A_340 : f32 to vector<1x768xf32>
          %min3A_342 = arith.minimumf %max3A_339, %min3A_341 : vector<1x768xf32>
          %swap3A_343 = arith.index_cast %scan3A_310 : i32 to index
          %swap3A_344 = arith.constant 0 : index
          %swap3A_345 = vector.load %arg13[%swap3A_343, %swap3A_344] : memref<256x768xf32, #tpu.memory_space<vmem>>, vector<1x768xf32>
          tpu.vector_store %arg13[%swap3A_343, %swap3A_344], %min3A_342 {strides = array<i32>} : memref<256x768xf32, #tpu.memory_space<vmem>>, vector<1x768xf32>,
          %sub3A_346 = arith.subf %add3A_335, %min3A_342 : vector<1x768xf32>
          %scan3A_347 = arith.constant 7 : i32
          %scan3A_348 = arith.addi %scan3A_83, %scan3A_347 : i32
          %mul3A_349 = arith.constant 0.899999976 : f32
          %mul3A_350 = vector.broadcast %mul3A_349 : f32 to vector<1x1024xf32>
          %mul3A_351 = arith.mulf %mul3A_350, %sub3A_328 : vector<1x1024xf32>
          %get3A_352 = arith.index_cast %scan3A_348 : i32 to index
          %get3A_353 = arith.constant 0 : index
          %get3A_354 = vector.load %arg10[%get3A_352, %get3A_353] : memref<256x1024xf32, #tpu.memory_space<vmem>>, vector<1x1024xf32>
          %add3A_355 = arith.addf %mul3A_351, %get3A_354 : vector<1x1024xf32>
          %round3A_356 = math.roundeven %add3A_355 : vector<1x1024xf32>
          %max3A_357 = arith.constant 0.000000e+00 : f32
          %max3A_358 = vector.broadcast %max3A_357 : f32 to vector<1x1024xf32>
          %max3A_359 = arith.maximumf %round3A_356, %max3A_358 : vector<1x1024xf32>
          %min3A_360 = arith.constant 1.600000e+01 : f32
          %min3A_361 = vector.broadcast %min3A_360 : f32 to vector<1x1024xf32>
          %min3A_362 = arith.minimumf %max3A_359, %min3A_361 : vector<1x1024xf32>
          %swap3A_363 = arith.index_cast %scan3A_348 : i32 to index
          %swap3A_364 = arith.constant 0 : index
          %swap3A_365 = vector.load %arg11[%swap3A_363, %swap3A_364] : memref<256x1024xf32, #tpu.memory_space<vmem>>, vector<1x1024xf32>
          tpu.vector_store %arg11[%swap3A_363, %swap3A_364], %min3A_362 {strides = array<i32>} : memref<256x1024xf32, #tpu.memory_space<vmem>>, vector<1x1024xf32>,
          %sub3A_366 = arith.subf %add3A_355, %min3A_362 : vector<1x1024xf32>
          %mul3A_367 = arith.constant 0.899999976 : f32
          %mul3A_368 = vector.broadcast %mul3A_367 : f32 to vector<1x768xf32>
          %mul3A_369 = arith.mulf %mul3A_368, %sub3A_346 : vector<1x768xf32>
          %get3A_370 = arith.index_cast %scan3A_348 : i32 to index
          %get3A_371 = arith.constant 0 : index
          %get3A_372 = vector.load %arg12[%get3A_370, %get3A_371] : memref<256x768xf32, #tpu.memory_space<vmem>>, vector<1x768xf32>
          %add3A_373 = arith.addf %mul3A_369, %get3A_372 : vector<1x768xf32>
          %round3A_374 = math.roundeven %add3A_373 : vector<1x768xf32>
          %max3A_375 = arith.constant 0.000000e+00 : f32
          %max3A_376 = vector.broadcast %max3A_375 : f32 to vector<1x768xf32>
          %max3A_377 = arith.maximumf %round3A_374, %max3A_376 : vector<1x768xf32>
          %min3A_378 = arith.constant 1.600000e+01 : f32
          %min3A_379 = vector.broadcast %min3A_378 : f32 to vector<1x768xf32>
          %min3A_380 = arith.minimumf %max3A_377, %min3A_379 : vector<1x768xf32>
          %swap3A_381 = arith.index_cast %scan3A_348 : i32 to index
          %swap3A_382 = arith.constant 0 : index
          %swap3A_383 = vector.load %arg13[%swap3A_381, %swap3A_382] : memref<256x768xf32, #tpu.memory_space<vmem>>, vector<1x768xf32>
          tpu.vector_store %arg13[%swap3A_381, %swap3A_382], %min3A_380 {strides = array<i32>} : memref<256x768xf32, #tpu.memory_space<vmem>>, vector<1x768xf32>,
          %sub3A_384 = arith.subf %add3A_373, %min3A_380 : vector<1x768xf32>
          scf.yield %sub3A_366, %sub3A_384 : vector<1x1024xf32>, vector<1x768xf32>
        }
        %scan3A_76 = arith.constant 256 : i32
        %swap3A_77 = arith.constant 0 : index
        %swap3A_78 = arith.constant 0 : index
        %swap3A_79 = vector.load %arg14[%swap3A_77, %swap3A_78] : memref<1x1024xf32, #tpu.memory_space<vmem>>, vector<1x1024xf32>
        tpu.vector_store %arg14[%swap3A_77, %swap3A_78], %scan3A_75#0 {strides = array<i32>} : memref<1x1024xf32, #tpu.memory_space<vmem>>, vector<1x1024xf32>,
        %swap3A_80 = arith.constant 0 : index
        %swap3A_81 = arith.constant 0 : index
        %swap3A_82 = vector.load %arg15[%swap3A_80, %swap3A_81] : memref<1x768xf32, #tpu.memory_space<vmem>>, vector<1x768xf32>
        tpu.vector_store %arg15[%swap3A_80, %swap3A_81], %scan3A_75#1 {strides = array<i32>} : memref<1x768xf32, #tpu.memory_space<vmem>>, vector<1x768xf32>,
      } else {
      }
    } else {
    }
    %gt3A_22 = arith.constant 0 : i32
    %gt3A_23 = arith.cmpi sgt, %arg0, %gt3A_22 : i32
    %convert_element_type3A_24 = arith.extui %gt3A_23 : i1 to i32
    %cond3A_25 = arith.constant 0 : i32
    %cond3A_26 = arith.cmpi ne, %convert_element_type3A_24, %cond3A_25 : i32
    scf.if %cond3A_26 {
      %get3A = arith.constant 0 : index
      %get3A_27 = arith.constant 0 : index
      %get3A_28 = vector.load %arg13[%get3A, %get3A_27] : memref<256x768xf32, #tpu.memory_space<vmem>>, vector<256x768xf32>
      %mul3A = arith.constant 6.250000e-02 : f32
      %mul3A_29 = vector.broadcast %mul3A : f32 to vector<256x768xf32>
      %mul3A_30 = arith.mulf %get3A_28, %mul3A_29 : vector<256x768xf32>
      %convert_element_type3A_31 = arith.truncf %mul3A_30 : vector<256x768xf32> to vector<256x768xbf16>
      %swap3A = arith.constant 0 : index
      %swap3A_32 = arith.constant 0 : index
      %swap3A_33 = vector.load %arg8[%swap3A, %swap3A_32] : memref<256x768xbf16, #tpu.memory_space<vmem>>, vector<256x768xbf16>
      tpu.vector_store %arg8[%swap3A, %swap3A_32], %convert_element_type3A_31 {strides = array<i32>} : memref<256x768xbf16, #tpu.memory_space<vmem>>, vector<256x768xbf16>,
    } else {
    }
    return
  }
  func.func @transform_0(%arg0: i32) -> (i32, i32) {
    %min3A = arith.constant 7 : i32
    %min3A_0 = arith.minsi %arg0, %min3A : i32
    %c0_i32 = arith.constant 0 : i32
    %c0_i32_1 = arith.constant 0 : i32
    return %min3A_0, %c0_i32 : i32, i32
  }
  func.func @transform_1(%arg0: i32) -> (i32, i32) {
    %c0_i32 = arith.constant 0 : i32
    %c0_i32_0 = arith.constant 0 : i32
    %c0_i32_1 = arith.constant 0 : i32
    return %c0_i32, %c0_i32_0 : i32, i32
  }
  func.func @transform_2(%arg0: i32) -> (i32, i32) {
    %c0_i32 = arith.constant 0 : i32
    %c0_i32_0 = arith.constant 0 : i32
    %c0_i32_1 = arith.constant 0 : i32
    return %c0_i32, %c0_i32_0 : i32, i32
  }
  func.func @transform_3(%arg0: i32) -> (i32, i32) {
    %c0_i32 = arith.constant 0 : i32
    %c0_i32_0 = arith.constant 0 : i32
    %c0_i32_1 = arith.constant 0 : i32
    return %c0_i32, %c0_i32_0 : i32, i32
  }
  func.func @transform_4(%arg0: i32) -> (i32, i32) {
    %c0_i32 = arith.constant 0 : i32
    %c0_i32_0 = arith.constant 0 : i32
    %c0_i32_1 = arith.constant 0 : i32
    return %c0_i32, %c0_i32_0 : i32, i32
  }
  func.func @transform_5(%arg0: i32) -> (i32, i32) {
    %c0_i32 = arith.constant 0 : i32
    %c0_i32_0 = arith.constant 0 : i32
    %c0_i32_1 = arith.constant 0 : i32
    return %c0_i32, %c0_i32_0 : i32, i32
  }
  func.func @transform_6(%arg0: i32) -> (i32, i32) {
    %min3A = arith.constant 7 : i32
    %min3A_0 = arith.minsi %arg0, %min3A : i32
    %c0_i32 = arith.constant 0 : i32
    %c0_i32_1 = arith.constant 0 : i32
    return %c0_i32, %min3A_0 : i32, i32
  }
  func.func @transform_7(%arg0: i32) -> (i32, i32) {
    %sub3A = arith.constant 1 : i32
    %sub3A_0 = arith.subi %arg0, %sub3A : i32
    %max3A = arith.constant 0 : i32
    %max3A_1 = arith.maxsi %sub3A_0, %max3A : i32
    %c0_i32 = arith.constant 0 : i32
    %c0_i32_2 = arith.constant 0 : i32
    return %max3A_1, %c0_i32 : i32, i32
  }
  func.func @transform_8(%arg0: i32) -> (i32, i32) {
    %min3A = arith.constant 7 : i32
    %min3A_0 = arith.minsi %arg0, %min3A : i32
    %c0_i32 = arith.constant 0 : i32
    %c0_i32_1 = arith.constant 0 : i32
    return %c0_i32, %min3A_0 : i32, i32
  }
}

</mosaic_0001>

<sc_bundles>
// kernel: kernel.6.cloned.1.call-start
scs
__scs_entry_jumppad:
0x0: {  	(pc) =	sbr.rel $0x88, $3  }
0x1: {  	(tag) =	ssettag $0x0;
	lr =	simm.s32 $0x1  }
0x2: {  	[smem:$0x3F99] =	sst lr;
	_ =	strace $0xD0000000  }
0x3: {  	_ = 	snop  }
0x4: {  	_ = 	snop  }
0x5: {  	_ = 	snop  }
0x6: {  	_ = 	snop  }
0x7: {  	_ = 	snop  }
__scs_overlays_trampoline_lowered:
0x8: {  	[smem:$0x3FA8] =	sst s0  }
0x9: {  	[smem:$0x3FA9] =	sst s1  }
0xa: {  	[smem:$0x3FAA] =	sst s2  }
0xb: {  	[smem:$0x3FAB] =	sst s3  }
0xc: {  	[smem:$0x3FAC] =	sst s4  }
0xd: {  	[smem:$0x3FAD] =	sst s5  }
0xe: {  	[smem:$0x3FAE] =	sst s6  }
0xf: {  	[smem:$0x3FAF] =	sst s7  }
0x10: {  	[smem:$0x3FB0] =	sst s8  }
0x11: {  	[smem:$0x3FB1] =	sst s9;
	s0 =	simm.s32 @!p0 $0x0  }
0x12: {  	s1 =	sld [smem:$0x3F97];
	s0 =	simm.s32 @p0 $0x1  }
0x13: {  	[smem:$0x3FB2] =	sst s0;
	s0 =	simm.s32 @!p1 $0x0  }
0x14: {  	s2 =	sld [smem:$0x3F96];
	s0 =	simm.s32 @p1 $0x1  }
0x15: {  	[smem:$0x3FB3] =	sst s0;
	s0 =	simm.s32 @!p2 $0x0  }
0x16: {  	s3 =	sld [smem:$0x3FDB];
	s0 =	simm.s32 @p2 $0x1  }
0x17: {  	s4 =	simm.s32 $0x1BF5;
	[smem:$0x3FB5] =	sst s0  }
0x18: {  	s0 =	sld [smem:$0x3F98];
	_ =	swait.ge [sflag:s4], $0x0  }
0x19: {  	s7 =	sld [smem:$0x3F99]  }
0x1a: {  	s8 =	sadd.s32 $0xFFFFE003, lr  }
0x1b: {  	s9 =	sadd.s32 $0xFFFFFEF7, lr;
	s5 =	simm.s32 $0xFFFFFFFF;
	p2 =	slt.u32 s8, $0xFFFFF086  }
0x1c: {  	p1 =	slt.u32 s9, $0xF7A;
	s5 =	simm.s32 @!p2 $0x0  }
0x1d: {  	s5 =	simm.s32 @p1 $0x1;
	p0 =	seq.s32 s7, s2  }
0x1e: {  	s7 =	smul.u32 @!p0 $0xF7A, s2;
	p2 =	seq.s32 @!p0 s5, $0x0  }
0x1f: {  	s9 =	smul.u32 $0xF7A, s1;
	s8 =	simm.s32 @!p0 $0x1BF5;
	p2 =	por !p2, p0  }
0x20: {  	[sflag:s8] =	ssyncset.s32 @!p0 $0xFFFFF086;
	s6 =	sadd.s32 @!p0 s3, s7;
	s7 =	simm.s32 @!p0 $0x108  }
0x21: {  	s3 =	sadd.s32 s3, s9;
	s6 =	sadd.s32 @!p0 $0x88, s6;
	s7 =	simm.s32 @p2 $0x1082  }
0x22: {  	[simem:s7], [sflag:s8] =	dma.local @!p0 [hbm:s6], $0xF7A  }
0x23: {  	s9 =	sor.u32 $0xD0000000, s2;
	s6 =	simm.s32 $0x108;
	_ =	swait.ge @!p0 [sflag:s8], $0x0  }
0x24: {  	s3 =	sadd.s32 $0x88, s3;
	s6 =	simm.s32 @!p1 $0x1082;
	[sflag:s4] =	ssyncset.s32 $0xFFFFF086  }
0x25: {  	[simem:s6], [sflag:s4] =	dma.local [hbm:s3], $0xF7A  }
0x26: {  	[smem:$0x3F99] =	sst s1;
	(tag) =	ssettag s2;
	_ =	strace s9  }
0x27: {  	s1 =	sld [smem:$0x3FA9]  }
0x28: {  	s2 =	sld [smem:$0x3FAA]  }
0x29: {  	s4 =	sld [smem:$0x3FAC]  }
0x2a: {  	p0 =	seq.s32 s5, $0x0;
	s5 =	sld [smem:$0x3FAD]  }
0x2b: {  	s6 =	sld [smem:$0x3FAE]  }
0x2c: {  	s7 =	sld [smem:$0x3FAF]  }
0x2d: {  	s3 =	simm.s32 $0x108;
	s8 =	sld [smem:$0x3FB0]  }
0x2e: {  	s3 =	simm.s32 @!p0 $0x1082;
	s9 =	sld [smem:$0x3FB1]  }
0x2f: {  	lr =	sadd.s32 s0, s3;
	s0 =	sld [smem:$0x3FA8]  }
0x30: {  	s3 =	sld [smem:$0x3FAB]  }
0x31: {  	[smem:$0x3FB4] =	sst s10  }
0x32: {  	s10 =	sld [smem:$0x3FB2];
	_ =	sdelay $0x3  }
0x33: {  	p0 =	seq.s32 s10, $0x1;
	s10 =	sld [smem:$0x3FB4];
	_ =	sdelay $0x3  }
0x34: {  	[smem:$0x3FB4] =	sst s10  }
0x35: {  	s10 =	sld [smem:$0x3FB3];
	_ =	sdelay $0x3  }
0x36: {  	p1 =	seq.s32 s10, $0x1;
	s10 =	sld [smem:$0x3FB4];
	_ =	sdelay $0x3  }
0x37: {  	[smem:$0x3FB4] =	sst s10  }
0x38: {  	s10 =	sld [smem:$0x3FB5]  }
0x39: {  	_ = 	snop;
	(pc) =	sbr.ind lr, $3  }
0x3a: {  	_ = 	snop  }
0x3b: {  	_ = 	snop  }
0x3c: {  	p2 =	seq.s32 s10, $0x1;
	s10 =	sld [smem:$0x3FB4]  }
0x3d: {  	_ =	shalt  }
0x3e: {  	_ =	shalt  }
0x3f: {  	_ =	shalt  }
0x40: {  	_ =	shalt  }
0x41: {  	_ =	shalt  }
0x42: {  	_ =	shalt  }
0x43: {  	_ =	shalt  }
0x44: {  	_ =	shalt  }
0x45: {  	_ =	shalt  }
0x46: {  	_ =	shalt  }
0x47: {  	_ =	shalt  }
0x48: {  	_ =	shalt  }
0x49: {  	_ =	shalt  }
0x4a: {  	_ =	shalt  }
0x4b: {  	_ =	shalt  }
0x4c: {  	_ =	shalt  }
0x4d: {  	_ =	shalt  }
0x4e: {  	_ =	shalt  }
0x4f: {  	_ =	shalt  }
0x50: {  	_ =	shalt  }
0x51: {  	_ =	shalt  }
0x52: {  	_ =	shalt  }
0x53: {  	_ =	shalt  }
0x54: {  	_ =	shalt  }
0x55: {  	_ =	shalt  }
0x56: {  	_ =	shalt  }
0x57: {  	_ =	shalt  }
0x58: {  	_ =	shalt  }
0x59: {  	_ =	shalt  }
0x5a: {  	_ =	shalt  }
0x5b: {  	_ =	shalt  }
0x5c: {  	_ =	shalt  }
0x5d: {  	_ =	shalt  }
0x5e: {  	_ =	shalt  }
0x5f: {  	_ =	shalt  }
0x60: {  	_ =	shalt  }
0x61: {  	_ =	shalt  }
0x62: {  	_ =	shalt  }
0x63: {  	_ =	shalt  }
0x64: {  	_ =	shalt  }
0x65: {  	_ =	shalt  }
0x66: {  	_ =	shalt  }
0x67: {  	_ =	shalt  }
0x68: {  	_ =	shalt  }
0x69: {  	_ =	shalt  }
0x6a: {  	_ =	shalt  }
0x6b: {  	_ =	shalt  }
0x6c: {  	_ =	shalt  }
0x6d: {  	_ =	shalt  }
0x6e: {  	_ =	shalt  }
0x6f: {  	_ =	shalt  }
0x70: {  	_ =	shalt  }
0x71: {  	_ =	shalt  }
0x72: {  	_ =	shalt  }
0x73: {  	_ =	shalt  }
0x74: {  	_ =	shalt  }
0x75: {  	_ =	shalt  }
0x76: {  	_ =	shalt  }
0x77: {  	_ =	shalt  }
0x78: {  	_ =	shalt  }
0x79: {  	_ =	shalt  }
0x7a: {  	_ =	shalt  }
0x7b: {  	_ =	shalt  }
0x7c: {  	_ =	shalt  }
0x7d: {  	_ =	shalt  }
0x7e: {  	_ =	shalt  }
0x7f: {  	_ =	shalt  }
0x80: {  	_ =	shalt  }
0x81: {  	_ =	shalt  }
0x82: {  	_ =	shalt  }
0x83: {  	_ =	shalt  }
0x84: {  	_ =	shalt  }
0x85: {  	_ =	shalt  }
0x86: {  	_ =	shalt  }
0x87: {  	_ =	shalt  }
.Lfunc_end0:
.L_simem_size_0:
called_computation_lowered:
.L_overlay_start_0:
0x88: {  	s2 =	sld [smem:$0x3FD9]  }
0x89: {  	s3 =	sld [smem:$0x3FFE];
	_ =	sdelay $0x1  }
0x8a: {  	s1 =	srdreg.scid  }
0x8b: {  	s0 =	sand.u32 $0x1, s1  }
0x8c: {  	s18 =	sshll.u32 s0, $0xA;
	s2 =	sadd.s32 s3, s2  }
0x8d: {  	s2 =	sadd.s32 s2, s18  }
0x8e: {  	[smem:$0x3FC0] =	sst s2  }
0x8f: {  	_ = 	snop  }
0x90: {  	s2 =	sld [smem:$0x3FC9]  }
0x91: {  	s19 =	sld [smem:$0x3FC8]  }
0x92: {  	s4 =	sld [smem:$0x3FD0];
	(tm) =	ssettm $0x1  }
0x93: {  	s5 =	sld [smem:$0x3FFB];
	_ =	sdelay $0x3  }
0x94: {  	_ =	strace s5  }
0x95: {  	s5 =	sld [smem:$0x3FFC];
	_ =	sdelay $0x3  }
0x96: {  	_ =	strace s5  }
0x97: {  	s5 =	sld [smem:$0x3FFD];
	_ =	sdelay $0x3  }
0x98: {  	_ =	strace s5  }
0x99: {  	_ =	strace $0x8FFFFFFF  }
0x9a: {  	s20 =	sld [smem:$0x3FDB];
	_ =	sdelay $0x1  }
0x9b: {  	s6 =	simm.s32 $_scs_section_size  }
0x9c: {  	s7 =	simm.s32 $_size__tile_overlayer_lowered;
	s8 =	simm.s32 $_tile_overlayer_lowered  }
0x9d: {  	s23 =	simm.s32 $0x1BFF;
	s22 =	sshll.u32 s8, $0x1;
	s5 =	sadd.s32 s6, s20  }
0x9e: {  	s9 =	simm.s32 $0x0;
	s21 =	sshll.u32 s7, $0x1;
	s7 =	sadd.s32 s22, s5  }
0x9f: {  	[timem:s9], [sflag:s23] =	dma.local [hbm:s7], s21  }
0xa0: {  	_ =	swait.ge [sflag:s23], s21  }
0xa1: {  	s6 =	ssub.s32 $0x0, s21;
	[sflag:s23] =	ssyncset.done $0x0  }
0xa2: {  	[sflag:s23] =	ssyncadd.s32 s6;
	_ =	sdelay $0x1  }
0xa3: {  	s24 =	simm.s32 $0x1B8B  }
0xa4: {  	_ =	swait.ge [sflag:s24], $0x1  }
0xa5: {  	[sflag:s24] =	ssyncset.done $0x0  }
0xa6: {  	s25 =	simm.s32 $0x1B8E;
	[sflag:s24] =	ssyncadd.s32 $0xFFFFFFFF  }
0xa7: {  	s26 =	simm.s32 $execute0_lowered;
	[smem:$0x3FD2] =	sst s25  }
0xa8: {  	s6 =	sshll.u32 s26, $0x1;
	_ =	strace $0x80000046;
	[dreg:$0x1] =	wrdreg $0xFFFFFFFF  }
0xa9: {  	s28 =	simm.s32 $_size_execute0_lowered;
	s5 =	sadd.s32 s5, s6;
	[dreg:$0x0] =	wrdreg $0x0  }
0xaa: {  	s6 =	sshll.u32 s28, $0x1;
	[dreg:$0x2] =	wrdreg s5  }
0xab: {  	[dreg:$0x3] =	wrdreg s6  }
0xac: {  	[dreg:$0x4] =	wrdreg $0xC0  }
0xad: {  	_ =	task [dreg:s9], $0x5FFFF  }
0xae: {  	[dreg:$0x1] =	wrdreg $0xFFFFFFFF  }
0xaf: {  	[dreg:$0x0] =	wrdreg $0x60  }
0xb0: {  	[dreg:$0x2] =	wrdreg s19  }
0xb1: {  	[dreg:$0x3] =	wrdreg s2  }
0xb2: {  	[dreg:$0x4] =	wrdreg s4  }
0xb3: {  	[dreg:$0x5] =	wrdreg $0x9  }
0xb4: {  	_ =	task.clear_ibuf [dreg:s9], $0x6FFFF;
	_ =	strace $0x90000046  }
0xb5: {  	s29 =	simm.s32 $0x9;
	_ =	strace $0x80000048  }
0xb6: {  	_ =	swait.ge [sflag:s29], $0x1  }
0xb7: {  	[sflag:s29] =	ssyncadd.s32 $0xFFFFFFFF  }
0xb8: {  	_ =	strace $0x90000048  }
0xb9: {  	_ =	sfence  }
0xba: {  	s30 =	sld [smem:$0x0];
	_ =	sdelay $0x2  }
0xbb: {  	s31 =	sshll.u32 s1, $0xD;
	s1 =	sshrl.u32 s1, $0x2  }
0xbc: {  	s3 =	sand.u32 $0x4000, s31;
	s1 =	sadd.s32 s1, s30  }
0xbd: {  	s0 =	sor.u32 s3, s0;
	s1 =	sshll.u32 s1, $0x11  }
0xbe: {  	s0 =	sor.u32 s1, s0  }
0xbf: {  	s0 =	sadd.s32 $0x8F2B, s0  }
0xc0: {  	[sflag:s0] =	ssyncadd.remote.s32 $0x1  }
0xc1: {  	_ =	sfence.sel $0xFFFF  }
0xc2: {  	[dreg:$0x0] =	wrdreg $0xFFFFFFFF;
	(pc) =	sbr.abs _section_cstart, $3  }
0xc3: {  	[dreg:$0x1] =	wrdreg $0xFFFFFFFF  }
0xc4: {  	_ =	task.clear_ibuf [dreg:s9], $0x2FFFF;
	_ =	strace $0x9FFFFFFF  }
0xc5: {  	(tm) =	ssettm $0x7FFFFFFF  }
tec
execute0_lowered:
.L_overlay_start_1:
0x0: {  	(tag) =	ssettag $0x1  }
0x1: {  	s2 =	rddreg [dreg:$0x0]  }
0x2: {  	s0 =	rddreg [dreg:$0x1];
	s3 =	srdreg.scid  }
0x3: {  	s5 =	rddreg [dreg:$0x2];
	s1 =	stileid.u32  }
0x4: {  	s26 =	simm.s32 $0x880;
	s9 =	simm.s32 $0x1080;
	s10 =	simm.s32 $0x1880  }
0x5: {  	s11 =	simm.s32 $0x2080;
	s12 =	simm.s32 $0x2880;
	s13 =	simm.s32 $0x3080  }
0x6: {  	s14 =	simm.s32 $0x3880;
	s15 =	simm.s32 $0x4080;
	s16 =	simm.s32 $0x4880  }
0x7: {  	s17 =	simm.s32 $0x5080;
	s18 =	simm.s32 $0x5880;
	s19 =	simm.s32 $0x6080  }
0x8: {  	s20 =	simm.s32 $0x6880;
	s21 =	simm.s32 $0x7080;
	s22 =	simm.s32 $0x7880  }
0x9: {  	s23 =	simm.s32 $0x8080;
	s28 =	simm.s32 $0xA080;
	s29 =	simm.s32 $0xA880  }
0xa: {  	s30 =	simm.s32 $0xB080;
	s31 =	simm.s32 $0xB880;
	s4 =	sand.u32 $0x1, s3  }
0xb: {  	s6 =	sshll.u32 s1, $0x4;
	s3 =	simm.s32 $0x0;
	s7 =	sshll.u32 s4, $0x3  }
0xc: {  	s4 =	ssub.s32 $0x2, s4;
	[smem:$0x7FF] =	sst s3;
	s6 =	sor.u32 s7, s6  }
0xd: {  	s24 =	sshrl.u32 s4, $0x1;
	_ =	strace $0x80000047;
	[dreg:$0x6] =	wrdreg s26  }
0xe: {  	s26 =	simm.s32 $0x9880;
	s8 =	smul.u32 $0x300, s6;
	s7 =	ssub.s32 s4, s24  }
0xf: {  	s0 =	sadd.s32 s0, s6;
	s4 =	sadd.s32 $0x100, s2;
	s24 =	simm.s32 $0x8880  }
0x10: {  	v2 =	vlaneseq.u32;
	[dreg:$0x4] =	wrdreg s0;
	s6 =	smax.u32 s7, $0x1;
	s7 =	simm.s32 $0x2  }
0x11: {  	vm0 =	vmmov $0xffff;
	v1 =	vshrl.u32 v2, $0x3;
	s0 =	simm.s32 $0x1;
	s25 =	sadd.s32 s5, s8;
	s5 =	sadd.s32 $0x200, s2  }
0x12: {  	v0 =	vand.u32 $0x7, v2;
	v2 =	vor.u32 $0x8, v2;
	v1 =	vmul.u32 $0x8, v1;
	s8 =	simm.s32 $0x80;
	[dreg:$0x5] =	wrdreg s25;
	s25 =	simm.s32 $0x9080  }
.LBB2_1:
0x13: {  	s1 =	rddreg [dreg:$0x4]  }
0x14: {  	[tilespmem:s3], [sflag:$0x2] =	stream.linear.gather [hbm4b:s1+s3], $0x40, $0x38;
	[tilespmem:$0xC080] =	vst v63  }
0x15: {  	_ =	swait.ge [sflag:s7], $0x40  }
0x16: {  	[sflag:s7] =	ssyncset.done $0x0  }
0x17: {  	[sflag:s7] =	ssyncadd.s32 $0xFFFFFFC0  }
0x18: {  	v3 =	vld [tilespmem:$0x0];
	_ =	sdelay $0x4  }
0x19: {  	v4 =	vshrl.u32 v3, $0x3  }
0x1a: {  	v4 =	vmul.u32 $0x30, v4  }
0x1b: {  	v3 =	vand.u32 $0x7, v3  }
0x1c: {  	v3 =	vor.u32 v3, v4  }
0x1d: {  	v4 =	vperm.xlane v3, v0;
	_ =	sdelay $0x1  }
0x1e: {  	v4 =	vadd.s32 v1, v4;
	_ =	sdelay $0x3  }
0x1f: {  	v3 =	vperm.xlane v3, v2  }
0x20: {  	[tilespmem:s8], [sflag:$0x1] =	stream.indirect_vreg.gather [hbm4b:s2+s3], $0x80, v4, vm0, $0xb8;
	[tilespmem:$0xC080] =	vst v63  }
0x21: {  	s1 =	rddreg [dreg:$0x6];
	v3 =	vadd.s32 v1, v3  }
0x22: {  	[tilespmem:s1], [sflag:$0x1] =	stream.indirect_vreg.gather [hbm4b:s4+s3], $0x80, v4, vm0, $0xb8;
	[tilespmem:$0xC080] =	vst v63  }
0x23: {  	_ = 	snop  }
0x24: {  	[tilespmem:s9], [sflag:$0x1] =	stream.indirect_vreg.gather [hbm4b:s5+s3], $0x80, v4, vm0, $0xb8;
	[tilespmem:$0xC080] =	vst v63  }
0x25: {  	_ = 	snop  }
0x26: {  	[tilespmem:s10], [sflag:$0x1] =	stream.indirect_vreg.gather [hbm4b:s2+s3], $0x80, v3, vm0, $0xb8;
	[tilespmem:$0xC080] =	vst v63  }
0x27: {  	_ = 	snop  }
0x28: {  	[tilespmem:s11], [sflag:$0x1] =	stream.indirect_vreg.gather [hbm4b:s4+s3], $0x80, v3, vm0, $0xb8;
	[tilespmem:$0xC080] =	vst v63  }
0x29: {  	_ = 	snop  }
0x2a: {  	[tilespmem:s12], [sflag:$0x1] =	stream.indirect_vreg.gather [hbm4b:s5+s3], $0x80, v3, vm0, $0xb8;
	[tilespmem:$0xC080] =	vst v63  }
0x2b: {  	v3 =	vld [tilespmem:$0x10];
	_ =	sdelay $0x4  }
0x2c: {  	v61 =	vshrl.u32 v3, $0x3  }
0x2d: {  	v4 =	vmul.u32 $0x30, v61  }
0x2e: {  	v3 =	vand.u32 $0x7, v3  }
0x2f: {  	v3 =	vor.u32 v3, v4  }
0x30: {  	v4 =	vperm.xlane v3, v0;
	_ =	sdelay $0x1  }
0x31: {  	v4 =	vadd.s32 v1, v4;
	_ =	sdelay $0x3  }
0x32: {  	v3 =	vperm.xlane v3, v2  }
0x33: {  	[tilespmem:s13], [sflag:$0x1] =	stream.indirect_vreg.gather [hbm4b:s2+s3], $0x80, v4, vm0, $0xb8;
	[tilespmem:$0xC080] =	vst v63  }
0x34: {  	v3 =	vadd.s32 v1, v3  }
0x35: {  	[tilespmem:s14], [sflag:$0x1] =	stream.indirect_vreg.gather [hbm4b:s4+s3], $0x80, v4, vm0, $0xb8;
	[tilespmem:$0xC080] =	vst v63  }
0x36: {  	_ = 	snop  }
0x37: {  	[tilespmem:s15], [sflag:$0x1] =	stream.indirect_vreg.gather [hbm4b:s5+s3], $0x80, v4, vm0, $0xb8;
	[tilespmem:$0xC080] =	vst v63  }
0x38: {  	_ = 	snop  }
0x39: {  	[tilespmem:s16], [sflag:$0x1] =	stream.indirect_vreg.gather [hbm4b:s2+s3], $0x80, v3, vm0, $0xb8;
	[tilespmem:$0xC080] =	vst v63  }
0x3a: {  	_ = 	snop  }
0x3b: {  	[tilespmem:s17], [sflag:$0x1] =	stream.indirect_vreg.gather [hbm4b:s4+s3], $0x80, v3, vm0, $0xb8;
	[tilespmem:$0xC080] =	vst v63  }
0x3c: {  	_ = 	snop  }
0x3d: {  	[tilespmem:s18], [sflag:$0x1] =	stream.indirect_vreg.gather [hbm4b:s5+s3], $0x80, v3, vm0, $0xb8;
	[tilespmem:$0xC080] =	vst v63  }
0x3e: {  	v3 =	vld [tilespmem:$0x20];
	_ =	sdelay $0x4  }
0x3f: {  	v62 =	vshrl.u32 v3, $0x3  }
0x40: {  	v4 =	vmul.u32 $0x30, v62  }
0x41: {  	v3 =	vand.u32 $0x7, v3  }
0x42: {  	v3 =	vor.u32 v3, v4  }
0x43: {  	v4 =	vperm.xlane v3, v0;
	_ =	sdelay $0x1  }
0x44: {  	v4 =	vadd.s32 v1, v4;
	_ =	sdelay $0x3  }
0x45: {  	v3 =	vperm.xlane v3, v2  }
0x46: {  	[tilespmem:s19], [sflag:$0x1] =	stream.indirect_vreg.gather [hbm4b:s2+s3], $0x80, v4, vm0, $0xb8;
	[tilespmem:$0xC080] =	vst v63  }
0x47: {  	v3 =	vadd.s32 v1, v3  }
0x48: {  	[tilespmem:s20], [sflag:$0x1] =	stream.indirect_vreg.gather [hbm4b:s4+s3], $0x80, v4, vm0, $0xb8;
	[tilespmem:$0xC080] =	vst v63  }
0x49: {  	_ = 	snop  }
0x4a: {  	[tilespmem:s21], [sflag:$0x1] =	stream.indirect_vreg.gather [hbm4b:s5+s3], $0x80, v4, vm0, $0xb8;
	[tilespmem:$0xC080] =	vst v63  }
0x4b: {  	_ = 	snop  }
0x4c: {  	[tilespmem:s22], [sflag:$0x1] =	stream.indirect_vreg.gather [hbm4b:s2+s3], $0x80, v3, vm0, $0xb8;
	[tilespmem:$0xC080] =	vst v63  }
0x4d: {  	_ = 	snop  }
0x4e: {  	[tilespmem:s23], [sflag:$0x1] =	stream.indirect_vreg.gather [hbm4b:s4+s3], $0x80, v3, vm0, $0xb8;
	[tilespmem:$0xC080] =	vst v63  }
0x4f: {  	_ = 	snop  }
0x50: {  	[tilespmem:s24], [sflag:$0x1] =	stream.indirect_vreg.gather [hbm4b:s5+s3], $0x80, v3, vm0, $0xb8;
	[tilespmem:$0xC080] =	vst v63  }
0x51: {  	v3 =	vld [tilespmem:$0x30];
	_ =	sdelay $0x4  }
0x52: {  	v63 =	vshrl.u32 v3, $0x3  }
0x53: {  	v4 =	vmul.u32 $0x30, v63  }
0x54: {  	v3 =	vand.u32 $0x7, v3  }
0x55: {  	v3 =	vor.u32 v3, v4  }
0x56: {  	v4 =	vperm.xlane v3, v0;
	_ =	sdelay $0x1  }
0x57: {  	v4 =	vadd.s32 v1, v4;
	_ =	sdelay $0x3  }
0x58: {  	v3 =	vperm.xlane v3, v2  }
0x59: {  	[tilespmem:s25], [sflag:$0x1] =	stream.indirect_vreg.gather [hbm4b:s2+s3], $0x80, v4, vm0, $0xb8;
	[tilespmem:$0xC080] =	vst v63  }
0x5a: {  	v3 =	vadd.s32 v1, v3  }
0x5b: {  	[tilespmem:s26], [sflag:$0x1] =	stream.indirect_vreg.gather [hbm4b:s4+s3], $0x80, v4, vm0, $0xb8;
	[tilespmem:$0xC080] =	vst v63  }
0x5c: {  	_ = 	snop  }
0x5d: {  	[tilespmem:s28], [sflag:$0x1] =	stream.indirect_vreg.gather [hbm4b:s5+s3], $0x80, v4, vm0, $0xb8;
	[tilespmem:$0xC080] =	vst v63  }
0x5e: {  	_ = 	snop  }
0x5f: {  	[tilespmem:s29], [sflag:$0x1] =	stream.indirect_vreg.gather [hbm4b:s2+s3], $0x80, v3, vm0, $0xb8;
	[tilespmem:$0xC080] =	vst v63  }
0x60: {  	_ = 	snop  }
0x61: {  	[tilespmem:s30], [sflag:$0x1] =	stream.indirect_vreg.gather [hbm4b:s4+s3], $0x80, v3, vm0, $0xb8;
	[tilespmem:$0xC080] =	vst v63  }
0x62: {  	_ = 	snop  }
0x63: {  	[tilespmem:s31], [sflag:$0x1] =	stream.indirect_vreg.gather [hbm4b:s5+s3], $0x80, v3, vm0, $0xb8;
	[tilespmem:$0xC080] =	vst v63  }
0x64: {  	_ =	swait.ge [sflag:s0], $0xC000  }
0x65: {  	p0 =	sne.s32 s6, $0x1;
	[sflag:s0] =	ssyncset.done $0x0  }
.Ltmp0:
0x66: {  	s1 =	rddreg [dreg:$0x5];
	[sflag:s0] =	ssyncadd.s32 $0xFFFF4000;
	(pc) =	sbr.rel @p0 .LBB2_1-.Ltmp0, $4  }
0x67: {  	[hbm4b:s1+s3] =	stream.linear.scatter [tilespmem:s8], [sflag:$0x2], $0xC000, $0x38;
	[tilespmem:$0xC080] =	vst v63  }
0x68: {  	_ =	swait.ge [sflag:s7], $0xC000  }
0x69: {  	[sflag:s7] =	ssyncset.done $0x0  }
0x6a: {  	s6 =	sadd.s32 $0xFFFFFFFF, s6;
	[sflag:s7] =	ssyncadd.s32 $0xFFFF4000  }
0x6b: {  	_ =	sfence.sel $0x180000  }
0x6c: {  	[bflag:$0x0] =	sbarrier.arrive $0xFFFF  }
0x6d: {  	_ =	strace $0x90000047  }
0x6e: {  	s0 =	stileid.u32;
	[bflag:$0x2] =	sbarrier.arrive $0xFFFF  }
0x6f: {  	p0 =	sne.s32 s0, $0x0;
	s0 =	rddreg [dreg:$0x3]  }
0x70: {  	s0 =	sadd.s32 @!p0 $0x100000, s0  }
0x71: {  	[sflag:s0] =	ssyncadd.tile.s32 @!p0 $0x1;
	_ =	shalt  }
.Lfunc_end2:
_tile_overlayer_lowered:
.L_overlay_start_2:
0x72: {  	(tag) =	ssettag $0x2  }
0x73: {  	s0 =	rddreg [dreg:$0x0];
	s2 =	stileid.u32  }
0x74: {  	s1 =	rddreg [dreg:$0x1];
	p0 =	sne.s32 s2, $0x0  }
0x75: {  	s3 =	rddreg [dreg:$0x2];
	[bflag:$0x3] =	sbarrier.arrive $0xFFFF;
	s2 =	simm.s32 @!p0 $0x1C02  }
0x76: {  	[timem:s3], [sflag:s2] =	dma.local @!p0 [hbm:s0], s1  }
0x77: {  	s0 =	simm.s32 @!p0 $0x2  }
0x78: {  	_ =	swait.ge @!p0 [sflag:s0], s1  }
0x79: {  	s1 =	ssub.s32 @!p0 $0x0, s1;
	[sflag:s0] =	ssyncset.done @!p0 $0x0  }
0x7a: {  	[sflag:s0] =	ssyncadd.s32 @!p0 s1  }
0x7b: {  	[bflag:$0x3] =	sbarrier.arrive $0xFFFF  }
0x7c: {  	_ =	shalt  }

</sc_bundles>
